<compile_context>
chip_gen: v7x
topology: tpu7x:2x2x1
jax: 0.10.2.dev20260603
libtpu: 0.0.44.dev20260713+nightly
codegen_flags: <defaults>
</compile_context>

<pallas_src>
import functools

import jax
import jax.numpy as jnp
from jax import lax
import jax.experimental.pallas as pl
from jax.experimental.pallas import tpu as pltpu
from jax.experimental.pallas import tpu_sc as plsc

NX = 704
NY = 800
C_OUT = 32
N = 400000
NW = 32
CHUNK = 12500
CW = CHUNK * 4
G = (CHUNK + 15) // 16
OSTRIDE = 720
CAPR = 32
SLABS_PER_W = NX // NW
BINPAD = 4 * (CAPR + 4)
ACCW = NY * C_OUT

_mesh = plsc.VectorSubcoreMesh(core_axis_name="c", subcore_axis_name="s")
_params = pltpu.CompilerParams(needs_layout_passes=False)


@functools.partial(
    pl.kernel,
    out_type=(
        jax.ShapeDtypeStruct((N * 4 + BINPAD,), jnp.float32),
        jax.ShapeDtypeStruct((NW * OSTRIDE,), jnp.int32),
    ),
    mesh=_mesh,
    compiler_params=_params,
    scratch_types=[
        pltpu.VMEM((G * 64,), jnp.float32),
        pltpu.VMEM((CW,), jnp.float32),
        pltpu.VMEM((G * 16,), jnp.int32),
        pltpu.VMEM((NX,), jnp.int32),
        pltpu.VMEM((NX,), jnp.int32),
        pltpu.VMEM((OSTRIDE,), jnp.int32),
    ],
)
def _bin_kernel(pts_hbm, binned_hbm, offs_hbm,
                pts_v, buf_v, ixs_v, hist_v, cur_v, offs_v):
    w = lax.axis_index("s") * 2 + lax.axis_index("c")
    base = pl.multiple_of(w * CW, 8)
    pltpu.sync_copy(pts_hbm.at[pl.ds(base, CW)], pts_v.at[pl.ds(0, CW)])

    def zero16(i, _):
        hist_v[pl.ds(i * 16, 16)] = jnp.zeros((16,), jnp.int32)
        return 0
    lax.fori_loop(0, NX // 16, zero16, 0)

    lanes = lax.iota(jnp.int32, 16)

    zero16v = jnp.zeros((16,), jnp.int32)

    def pass1(g, _):
        pid = g * 16 + lanes
        valid = pid < CHUNK
        x = plsc.load_gather(pts_v, [pid * 4])
        ix = jnp.clip((x / 0.1).astype(jnp.int32), 0, NX - 1)
        ix = jnp.where(valid, ix, 0)
        ixs_v[pl.ds(g * 16, 16)] = ix
        cnt, last = plsc.scan_count(ix, mask=valid)
        plsc.addupdate_scatter(hist_v, [ix], cnt, mask=last)
        return 0
    lax.fori_loop(0, G, pass1, 0)

    def scan_step(i, carry):
        h = hist_v[pl.ds(i * 16, 16)]
        inc = plsc.cumsum(h) + jnp.full((16,), carry, jnp.int32)
        excl = inc - h
        cur_v[pl.ds(i * 16, 16)] = excl
        offs_v[pl.ds(i * 16, 16)] = excl
        return inc[15]
    total = lax.fori_loop(0, NX // 16, scan_step, jnp.int32(0))
    offs_v[pl.ds(NX, 16)] = jnp.where(lanes == 0, total, 0)
    pltpu.sync_copy(
        offs_v, offs_hbm.at[pl.ds(pl.multiple_of(w * OSTRIDE, 8), OSTRIDE)])

    def pass2(g, _):
        pid = g * 16 + lanes
        valid = pid < CHUNK
        ix = ixs_v[pl.ds(g * 16, 16)]
        cnt, last = plsc.scan_count(ix, mask=valid)
        cur = plsc.load_gather(cur_v, [ix])
        dest = cur + cnt - 1
        plsc.store_scatter(cur_v, [ix], cur + cnt, mask=last)
        d4 = dest * 4
        for k in range(4):
            comp = plsc.load_gather(pts_v, [pid * 4 + k])
            plsc.store_scatter(buf_v, [d4 + k], comp, mask=valid)
        return 0
    lax.fori_loop(0, G, pass2, 0)

    pltpu.sync_copy(buf_v, binned_hbm.at[pl.ds(base, CW)])


@functools.partial(
    pl.kernel,
    out_type=jax.ShapeDtypeStruct((NX * NY, C_OUT), jnp.float32),
    mesh=_mesh,
    compiler_params=_params,
    scratch_types=[
        pltpu.VMEM((NW * OSTRIDE,), jnp.int32),
        pltpu.VMEM((224,), jnp.float32),
        pltpu.VMEM((NY, C_OUT), jnp.float32),
        pltpu.VMEM((CAPR * 4 + 16,), jnp.float32),
    ],
)
def _pool_kernel(binned_hbm, offs_hbm, coef_hbm, out_hbm,
                 offs_v, coef_v, acc_v, stage_v):
    w = lax.axis_index("s") * 2 + lax.axis_index("c")
    pltpu.sync_copy(offs_hbm, offs_v)
    pltpu.sync_copy(coef_hbm, coef_v)

    a0l = coef_v[pl.ds(0, 16)]
    a0h = coef_v[pl.ds(16, 16)]
    a1l = coef_v[pl.ds(32, 16)]
    a1h = coef_v[pl.ds(48, 16)]
    a2l = coef_v[pl.ds(64, 16)]
    a2h = coef_v[pl.ds(80, 16)]
    a3l = coef_v[pl.ds(96, 16)]
    a3h = coef_v[pl.ds(112, 16)]
    b1l = coef_v[pl.ds(128, 16)]
    b1h = coef_v[pl.ds(144, 16)]
    b0l = coef_v[pl.ds(160, 16)]
    b0h = coef_v[pl.ds(176, 16)]
    kl = coef_v[pl.ds(192, 16)]
    kh = coef_v[pl.ds(208, 16)]

    def do_slab(j, _):
        s = w + NW * j

        zf = jnp.zeros((16,), jnp.float32)

        def zacc(r, _):
            acc_v[r, pl.ds(0, 16)] = zf
            acc_v[r, pl.ds(16, 16)] = zf
            return 0
        lax.fori_loop(0, NY, zacc, 0)

        sxf = jnp.full((16,), s, jnp.int32).astype(jnp.float32)
        ksl = kl + b0l * sxf
        ksh = kh + b0h * sxf

        def do_src(t, _):
            o2 = offs_v[pl.ds(t * OSTRIDE + s, 16)]
            start_l = o2[0]
            cnt = o2[1] - start_l
            gstart = t * CHUNK + start_l

            def cond(c):
                return c[0] < cnt

            def chunk_body(c):
                pos = c[0]
                p0 = gstart + pos
                al = p0 & ~1
                skip = p0 - al
                m = jnp.minimum(CAPR - skip, cnt - pos)
                src = pl.multiple_of(al * 4, 8)
                pltpu.sync_copy(binned_hbm.at[pl.ds(src, CAPR * 4)],
                                stage_v.at[pl.ds(0, CAPR * 4)])

                def point(p, _):
                    q = (skip + p) * 4
                    row = stage_v[pl.ds(q, 16)]
                    iyv = jnp.clip(((row + 40.0) / 0.1).astype(jnp.int32),
                                   0, NY - 1)
                    iy = iyv[1]
                    bx = jnp.full((16,), row[0], jnp.float32)
                    by = jnp.full((16,), row[1], jnp.float32)
                    bz = jnp.full((16,), row[2], jnp.float32)
                    bt = jnp.full((16,), row[3], jnp.float32)
                    biy = jnp.full((16,), iy, jnp.int32).astype(jnp.float32)
                    hl = ksl + bx * a0l + by * a1l + bz * a2l \
                        + bt * a3l + biy * b1l
                    hh = ksh + bx * a0h + by * a1h + bz * a2h \
                        + bt * a3h + biy * b1h
                    hl = jnp.maximum(hl, 0.0)
                    hh = jnp.maximum(hh, 0.0)
                    acc_v[iy, pl.ds(0, 16)] = jnp.maximum(
                        acc_v[iy, pl.ds(0, 16)], hl)
                    acc_v[iy, pl.ds(16, 16)] = jnp.maximum(
                        acc_v[iy, pl.ds(16, 16)], hh)
                    return 0
                lax.fori_loop(0, m, point, 0)
                return (pos + m,)

            lax.while_loop(cond, chunk_body, (jnp.int32(0),))
            return 0
        lax.fori_loop(0, NW, do_src, 0)

        pltpu.sync_copy(
            acc_v, out_hbm.at[pl.ds(pl.multiple_of(s * NY, 8), NY), :])
        return 0
    lax.fori_loop(0, SLABS_PER_W, do_slab, 0)


def kernel(points, W, b):
    Wf = W.astype(jnp.float32)
    a0 = Wf[0] + Wf[3] + Wf[6]
    a1 = Wf[1] + Wf[4] + Wf[7]
    a2 = Wf[2] + Wf[5] + Wf[8]
    a3 = Wf[9]
    b0 = -0.1 * Wf[3]
    b1 = -0.1 * Wf[4]
    k = (b.astype(jnp.float32) + 40.0 * (Wf[1] + Wf[4])
         + 3.0 * (Wf[2] + Wf[5]) - 2.0 * Wf[5]
         - 0.05 * Wf[3] - 0.05 * Wf[4])
    coef = jnp.concatenate([a0, a1, a2, a3, b1, b0, k]).astype(jnp.float32)

    pts = points.astype(jnp.float32).reshape(-1)
    binned, offs = _bin_kernel(pts)
    return _pool_kernel(binned, offs, coef)

# --- scband reference (transcript-rebuilt; emitter-appended) ---
"""Pipeline reference for scband-dynamic-pillar-feature-net-8942121910502 (READ-ONLY COPY).

The authoritative reference and input builder live on the scoring server;
editing this copy changes nothing except your own understanding.
"""

import jax, jax.numpy as jnp
import numpy as np

PC_RANGE = (0.0, -40.0, -3.0, 70.4, 40.0, 1.0)
PILLAR = 0.1
NX = 704  # (70.4 - 0.0) / 0.1
NY = 800  # (40.0 - (-40.0)) / 0.1
C_OUT = 32
C_IN = 10  # 6 + num_input_features(4)


def setup_inputs(seed: int = 0) -> dict:
    key = jax.random.key(seed)
    k1, k2, _ = jax.random.split(key, 3)
    u = jax.random.uniform(k1, (400000, 4), dtype=jnp.float32)
    lo = jnp.array([0.0, -40.0, -3.0, 0.0], dtype=jnp.float32)
    span = jnp.array([70.4, 80.0, 4.0, 1.0], dtype=jnp.float32)
    points = lo + u * span  # absolute coords within pc_range + intensity
    W = jax.random.normal(k2, (C_IN, C_OUT), dtype=jnp.float32) * (1.0 / np.sqrt(C_IN))
    b = jnp.zeros((C_OUT,), dtype=jnp.float32)
    return {"points": points, "W": W, "b": b}


def reference(points, W, b):
    # absl_to_relative: shift xyz by pc_range mins
    origin = jnp.array(PC_RANGE[:3], dtype=points.dtype)
    xyz = points[:, :3] - origin  # relative xyz
    # dynamic pillarization: integer pillar coords
    ix = jnp.clip(jnp.floor(xyz[:, 0] / PILLAR), 0, NX - 1).astype(jnp.int32)
    iy = jnp.clip(jnp.floor(xyz[:, 1] / PILLAR), 0, NY - 1).astype(jnp.int32)
    pillar_idx = ix * NY + iy  # [N]
    # offsets of each point to its pillar center (x,y) and pillar z-center
    cx = (ix.astype(points.dtype) + 0.5) * PILLAR
    cy = (iy.astype(points.dtype) + 0.5) * PILLAR
    cz = (PC_RANGE[5] - PC_RANGE[2]) / 2.0
    f_center = jnp.stack([xyz[:, 0] - cx, xyz[:, 1] - cy, xyz[:, 2] - cz], axis=1)  # [N,3]
    # 6 + num_input_features: relative xyz (3) + center offsets (3) + raw point feats (4)
    feats = jnp.concatenate([xyz, f_center, points], axis=1)  # [N,10]
    # PFN layer: linear + ReLU
    h = jnp.maximum(feats @ W + b, 0.0)  # [N,32]
    # pillar max pooling: segment max over dynamic pillars
    pooled = jax.ops.segment_max(h, pillar_idx, num_segments=NX * NY)  # [563200,32]
    pooled = jnp.where(jnp.isfinite(pooled), pooled, 0.0)  # empty pillars -> 0
    return pooled

if __name__ == "__main__":
    import jax
    _d = setup_inputs()
    print(jax.jit(kernel)(*tuple(_d.values())))

</pallas_src>

<mosaic_0001>
#map = affine_map<(d0, d1) -> (0)>
module attributes {stable_mosaic.version = 14 : i64} {
  func.func @_bin_kernel(%arg0: i32, %arg1: i32, %arg2: memref<1600000xf32, #tpu.memory_space<hbm>>, %arg3: memref<1600144xf32, #tpu.memory_space<hbm>>, %arg4: memref<23040xi32, #tpu.memory_space<hbm>>, %arg5: memref<50048xf32, #tpu.memory_space<vmem>>, %arg6: memref<50000xf32, #tpu.memory_space<vmem>>, %arg7: memref<12512xi32, #tpu.memory_space<vmem>>, %arg8: memref<704xi32, #tpu.memory_space<vmem>>, %arg9: memref<704xi32, #tpu.memory_space<vmem>>, %arg10: memref<720xi32, #tpu.memory_space<vmem>>) attributes {dimension_semantics = [#tpu.dimension_semantics<core_parallel>, #tpu.dimension_semantics<subcore_parallel>], iteration_bounds = array<i64: 2, 16>, scalar_prefetch = 0 : i64, scratch_operands = 6 : i64, tpu.core_type = #tpu.core_type<sc_vector_subcore>, window_params = [{transform_indices = #map}, {transform_indices = #map}, {transform_indices = #map}]} {
    %mul3A = arith.constant 2 : i32
    %mul3A_0 = arith.muli %arg1, %mul3A : i32
    %add3A = arith.addi %mul3A_0, %arg0 : i32
    %mul3A_1 = arith.constant 50000 : i32
    %mul3A_2 = arith.muli %add3A, %mul3A_1 : i32
    %multiple_of3A = tpu.assume_multiple %mul3A_2, 8 : i32
    "tpu.region"() ({
      %run_scoped3A = tpu.sem_alloc : memref<!tpu.dma_semaphore, #tpu.memory_space<semaphore_mem>>
      %dma_start3A = arith.constant 0 : i32
      %dma_start3A_39 = tpu.memref_slice %arg5[%dma_start3A] : memref<50048xf32, #tpu.memory_space<vmem>> -> memref<50000xf32, #tpu.memory_space<vmem>>
      %dma_start3A_40 = tpu.memref_slice %arg2[%multiple_of3A] : memref<1600000xf32, #tpu.memory_space<hbm>> -> memref<50000xf32, #tpu.memory_space<hbm>>
      %dma_start3A_41 = arith.constant 0 : i32
      %dma_start3A_42 = tpu.memref_slice %arg5[%dma_start3A_41] : memref<50048xf32, #tpu.memory_space<vmem>> -> memref<50000xf32, #tpu.memory_space<vmem>>
      %dma_start3A_43 = tpu.memref_slice %arg2[%multiple_of3A] : memref<1600000xf32, #tpu.memory_space<hbm>> -> memref<50000xf32, #tpu.memory_space<hbm>>
      tpu.enqueue_dma source(%dma_start3A_43 : memref<50000xf32, #tpu.memory_space<hbm>>) target(%dma_start3A_42 : memref<50000xf32, #tpu.memory_space<vmem>>) target_semaphore(%run_scoped3A : memref<!tpu.dma_semaphore, #tpu.memory_space<semaphore_mem>>)
      %dma_wait3A = arith.constant 0 : i32
      %dma_wait3A_44 = tpu.memref_slice %arg5[%dma_wait3A] : memref<50048xf32, #tpu.memory_space<vmem>> -> memref<50000xf32, #tpu.memory_space<vmem>>
      %dma_wait3A_45 = tpu.memref_slice %arg2[%multiple_of3A] : memref<1600000xf32, #tpu.memory_space<hbm>> -> memref<50000xf32, #tpu.memory_space<hbm>>
      %dma_wait3A_46 = arith.constant 0 : i32
      %dma_wait3A_47 = tpu.memref_slice %arg5[%dma_wait3A_46] : memref<50048xf32, #tpu.memory_space<vmem>> -> memref<50000xf32, #tpu.memory_space<vmem>>
      %dma_wait3A_48 = tpu.memref_slice %arg2[%multiple_of3A] : memref<1600000xf32, #tpu.memory_space<hbm>> -> memref<50000xf32, #tpu.memory_space<hbm>>
      tpu.wait_dma2 semaphore(%run_scoped3A : memref<!tpu.dma_semaphore, #tpu.memory_space<semaphore_mem>>) src(%dma_wait3A_48 : memref<50000xf32, #tpu.memory_space<hbm>>) dst(%dma_wait3A_47 : memref<50000xf32, #tpu.memory_space<vmem>>)
      tpu.yield
    }) : () -> ()
    %scan3A = arith.constant 0 : i32
    %scan3A_3 = arith.constant 0 : i32
    %scan3A_4 = arith.constant 44 : i32
    %scan3A_5 = arith.addi %scan3A_3, %scan3A_4 : i32
    %scan3A_6 = arith.constant 1 : i32
    %scan3A_7 = scf.for %scan3A_39 = %scan3A_3 to %scan3A_5 step %scan3A_6 iter_args(%scan3A_40 = %scan3A) -> (i32)  : i32 {
      %broadcast_in_dim3A_41 = arith.constant 0 : i32
      %broadcast_in_dim3A_42 = vector.broadcast %broadcast_in_dim3A_41 : i32 to vector<16xi32>
      %mul3A_43 = arith.constant 16 : i32
      %mul3A_44 = arith.muli %scan3A_39, %mul3A_43 : i32
      %swap3A_45 = arith.index_cast %mul3A_44 : i32 to index
      %swap3A_46 = tpu.vector_load %arg8[%swap3A_45] {strides = array<i32>} : memref<704xi32, #tpu.memory_space<vmem>>, vector<16xi32>,
      tpu.vector_store %arg8[%swap3A_45], %broadcast_in_dim3A_42 {strides = array<i32>} : memref<704xi32, #tpu.memory_space<vmem>>, vector<16xi32>,
      %scan3A_47 = arith.constant 0 : i32
      scf.yield %scan3A_47 : i32
    }
    %scan3A_8 = arith.constant 44 : i32
    %iota3A = tpu.iota {dimensions = array<i32: 0>} : vector<16xi32>
    %broadcast_in_dim3A = arith.constant 0 : i32
    %broadcast_in_dim3A_9 = vector.broadcast %broadcast_in_dim3A : i32 to vector<16xi32>
    %scan3A_10 = arith.constant 0 : i32
    %scan3A_11 = arith.constant 0 : i32
    %scan3A_12 = arith.constant 782 : i32
    %scan3A_13 = arith.addi %scan3A_11, %scan3A_12 : i32
    %scan3A_14 = arith.constant 1 : i32
    %scan3A_15 = scf.for %scan3A_39 = %scan3A_11 to %scan3A_13 step %scan3A_14 iter_args(%scan3A_40 = %scan3A_10) -> (i32)  : i32 {
      %mul3A_41 = arith.constant 16 : i32
      %mul3A_42 = arith.muli %scan3A_39, %mul3A_41 : i32
      %add3A_43 = vector.broadcast %mul3A_42 : i32 to vector<16xi32>
      %add3A_44 = arith.addi %add3A_43, %iota3A : vector<16xi32>
      %lt3A = arith.constant 12500 : i32
      %lt3A_45 = vector.broadcast %lt3A : i32 to vector<16xi32>
      %lt3A_46 = arith.cmpi slt, %add3A_44, %lt3A_45 : vector<16xi32>
      %mul3A_47 = arith.constant 4 : i32
      %mul3A_48 = vector.broadcast %mul3A_47 : i32 to vector<16xi32>
      %mul3A_49 = arith.muli %add3A_44, %mul3A_48 : vector<16xi32>
      %gather3A = tpu.vector_load_idx %arg5[%mul3A_49] : memref<50048xf32, #tpu.memory_space<vmem>>[vector<16xi32>], vector<16xf32>,
      %div3A = arith.constant 1.000000e-01 : f32
      %div3A_50 = vector.broadcast %div3A : f32 to vector<16xf32>
      %div3A_51 = arith.divf %gather3A, %div3A_50 : vector<16xf32>
      %convert_element_type3A = arith.fptosi %div3A_51 : vector<16xf32> to vector<16xi32>
      %jit3A_52 = arith.constant 0 : i32
      %jit3A_53 = arith.constant 703 : i32
      %max3A = vector.broadcast %jit3A_52 : i32 to vector<16xi32>
      %max3A_54 = arith.maxsi %max3A, %convert_element_type3A : vector<16xi32>
      %min3A = vector.broadcast %jit3A_53 : i32 to vector<16xi32>
      %min3A_55 = arith.minsi %min3A, %max3A_54 : vector<16xi32>
      %jit3A_56 = arith.constant 0 : i32
      %broadcast_in_dim3A_57 = vector.broadcast %jit3A_56 : i32 to vector<16xi32>
      %select_n3A_58 = arith.select %lt3A_46, %min3A_55, %broadcast_in_dim3A_57 : vector<16xi1>, vector<16xi32>
      %mul3A_59 = arith.constant 16 : i32
      %mul3A_60 = arith.muli %scan3A_39, %mul3A_59 : i32
      %swap3A_61 = arith.index_cast %mul3A_60 : i32 to index
      %swap3A_62 = tpu.vector_load %arg7[%swap3A_61] {strides = array<i32>} : memref<12512xi32, #tpu.memory_space<vmem>>, vector<16xi32>,
      tpu.vector_store %arg7[%swap3A_61], %select_n3A_58 {strides = array<i32>} : memref<12512xi32, #tpu.memory_space<vmem>>, vector<16xi32>,
      %unique3A, %unique3A_63 = tpu.scan_count mask(%lt3A_46 : vector<16xi1>) value(%select_n3A_58 : vector<16xi32>) : vector<16xi1>, vector<16xi32>
      tpu.vector_store_idx %arg8[%select_n3A_58], %unique3A_63 masked %unique3A {add = true} : memref<704xi32, #tpu.memory_space<vmem>>[vector<16xi32>], vector<16xi32>, vector<16xi1>
      %scan3A_64 = arith.constant 0 : i32
      scf.yield %scan3A_64 : i32
    }
    %scan3A_16 = arith.constant 782 : i32
    %scan3A_17 = arith.constant 0 : i32
    %scan3A_18 = arith.constant 0 : i32
    %scan3A_19 = arith.constant 44 : i32
    %scan3A_20 = arith.addi %scan3A_18, %scan3A_19 : i32
    %scan3A_21 = arith.constant 1 : i32
    %scan3A_22 = scf.for %scan3A_39 = %scan3A_18 to %scan3A_20 step %scan3A_21 iter_args(%scan3A_40 = %scan3A_17) -> (i32)  : i32 {
      %mul3A_41 = arith.constant 16 : i32
      %mul3A_42 = arith.muli %scan3A_39, %mul3A_41 : i32
      %get3A = arith.index_cast %mul3A_42 : i32 to index
      %get3A_43 = tpu.vector_load %arg8[%get3A] {strides = array<i32>} : memref<704xi32, #tpu.memory_space<vmem>>, vector<16xi32>,
      %broadcast_in_dim3A_44 = arith.constant true
      %broadcast_in_dim3A_45 = vector.broadcast %broadcast_in_dim3A_44 : i1 to vector<16xi1>
      %masked_cumsum3A = tpu.scan <sum>, %get3A_43 masked %broadcast_in_dim3A_45 : vector<16xi32>, vector<16xi1> -> vector<16xi32>
      %broadcast_in_dim3A_46 = vector.broadcast %scan3A_40 : i32 to vector<16xi32>
      %add3A_47 = arith.addi %masked_cumsum3A, %broadcast_in_dim3A_46 : vector<16xi32>
      %sub3A = arith.subi %add3A_47, %get3A_43 : vector<16xi32>
      %mul3A_48 = arith.constant 16 : i32
      %mul3A_49 = arith.muli %scan3A_39, %mul3A_48 : i32
      %swap3A_50 = arith.index_cast %mul3A_49 : i32 to index
      %swap3A_51 = tpu.vector_load %arg9[%swap3A_50] {strides = array<i32>} : memref<704xi32, #tpu.memory_space<vmem>>, vector<16xi32>,
      tpu.vector_store %arg9[%swap3A_50], %sub3A {strides = array<i32>} : memref<704xi32, #tpu.memory_space<vmem>>, vector<16xi32>,
      %mul3A_52 = arith.constant 16 : i32
      %mul3A_53 = arith.muli %scan3A_39, %mul3A_52 : i32
      %swap3A_54 = arith.index_cast %mul3A_53 : i32 to index
      %swap3A_55 = tpu.vector_load %arg10[%swap3A_54] {strides = array<i32>} : memref<720xi32, #tpu.memory_space<vmem>>, vector<16xi32>,
      tpu.vector_store %arg10[%swap3A_54], %sub3A {strides = array<i32>} : memref<720xi32, #tpu.memory_space<vmem>>, vector<16xi32>,
      %slice3A = vector.extract_strided_slice %add3A_47 {offsets = [15], sizes = [1], strides = [1]} : vector<16xi32> to vector<1xi32>
      %squeeze3A = vector.extract %slice3A[0] : i32 from vector<1xi32>
      scf.yield %squeeze3A : i32
    }
    %scan3A_23 = arith.constant 44 : i32
    %eq3A = arith.constant 0 : i32
    %eq3A_24 = vector.broadcast %eq3A : i32 to vector<16xi32>
    %eq3A_25 = arith.cmpi eq, %iota3A, %eq3A_24 : vector<16xi32>
    %jit3A = arith.constant 0 : i32
    %broadcast_in_dim3A_26 = vector.broadcast %scan3A_22 : i32 to vector<16xi32>
    %broadcast_in_dim3A_27 = vector.broadcast %jit3A : i32 to vector<16xi32>
    %select_n3A = arith.select %eq3A_25, %broadcast_in_dim3A_26, %broadcast_in_dim3A_27 : vector<16xi1>, vector<16xi32>
    %swap3A = arith.constant 704 : index
    %swap3A_28 = tpu.vector_load %arg10[%swap3A] {strides = array<i32>} : memref<720xi32, #tpu.memory_space<vmem>>, vector<16xi32>,
    tpu.vector_store %arg10[%swap3A], %select_n3A {strides = array<i32>} : memref<720xi32, #tpu.memory_space<vmem>>, vector<16xi32>,
    %mul3A_29 = arith.constant 720 : i32
    %mul3A_30 = arith.muli %add3A, %mul3A_29 : i32
    %multiple_of3A_31 = tpu.assume_multiple %mul3A_30, 8 : i32
    "tpu.region"() ({
      %run_scoped3A = tpu.sem_alloc : memref<!tpu.dma_semaphore, #tpu.memory_space<semaphore_mem>>
      %dma_start3A = tpu.memref_slice %arg4[%multiple_of3A_31] : memref<23040xi32, #tpu.memory_space<hbm>> -> memref<720xi32, #tpu.memory_space<hbm>>
      %dma_start3A_39 = tpu.memref_slice %arg4[%multiple_of3A_31] : memref<23040xi32, #tpu.memory_space<hbm>> -> memref<720xi32, #tpu.memory_space<hbm>>
      tpu.enqueue_dma source(%arg10 : memref<720xi32, #tpu.memory_space<vmem>>) target(%dma_start3A_39 : memref<720xi32, #tpu.memory_space<hbm>>) target_semaphore(%run_scoped3A : memref<!tpu.dma_semaphore, #tpu.memory_space<semaphore_mem>>)
      %dma_wait3A = tpu.memref_slice %arg4[%multiple_of3A_31] : memref<23040xi32, #tpu.memory_space<hbm>> -> memref<720xi32, #tpu.memory_space<hbm>>
      %dma_wait3A_40 = tpu.memref_slice %arg4[%multiple_of3A_31] : memref<23040xi32, #tpu.memory_space<hbm>> -> memref<720xi32, #tpu.memory_space<hbm>>
      tpu.wait_dma2 semaphore(%run_scoped3A : memref<!tpu.dma_semaphore, #tpu.memory_space<semaphore_mem>>) src(%arg10 : memref<720xi32, #tpu.memory_space<vmem>>) dst(%dma_wait3A_40 : memref<720xi32, #tpu.memory_space<hbm>>)
      tpu.yield
    }) : () -> ()
    %scan3A_32 = arith.constant 0 : i32
    %scan3A_33 = arith.constant 0 : i32
    %scan3A_34 = arith.constant 782 : i32
    %scan3A_35 = arith.addi %scan3A_33, %scan3A_34 : i32
    %scan3A_36 = arith.constant 1 : i32
    %scan3A_37 = scf.for %scan3A_39 = %scan3A_33 to %scan3A_35 step %scan3A_36 iter_args(%scan3A_40 = %scan3A_32) -> (i32)  : i32 {
      %mul3A_41 = arith.constant 16 : i32
      %mul3A_42 = arith.muli %scan3A_39, %mul3A_41 : i32
      %add3A_43 = vector.broadcast %mul3A_42 : i32 to vector<16xi32>
      %add3A_44 = arith.addi %add3A_43, %iota3A : vector<16xi32>
      %lt3A = arith.constant 12500 : i32
      %lt3A_45 = vector.broadcast %lt3A : i32 to vector<16xi32>
      %lt3A_46 = arith.cmpi slt, %add3A_44, %lt3A_45 : vector<16xi32>
      %mul3A_47 = arith.constant 16 : i32
      %mul3A_48 = arith.muli %scan3A_39, %mul3A_47 : i32
      %get3A = arith.index_cast %mul3A_48 : i32 to index
      %get3A_49 = tpu.vector_load %arg7[%get3A] {strides = array<i32>} : memref<12512xi32, #tpu.memory_space<vmem>>, vector<16xi32>,
      %unique3A, %unique3A_50 = tpu.scan_count mask(%lt3A_46 : vector<16xi1>) value(%get3A_49 : vector<16xi32>) : vector<16xi1>, vector<16xi32>
      %gather3A = tpu.vector_load_idx %arg9[%get3A_49] : memref<704xi32, #tpu.memory_space<vmem>>[vector<16xi32>], vector<16xi32>,
      %add3A_51 = arith.addi %gather3A, %unique3A_50 : vector<16xi32>
      %sub3A = arith.constant 1 : i32
      %sub3A_52 = vector.broadcast %sub3A : i32 to vector<16xi32>
      %sub3A_53 = arith.subi %add3A_51, %sub3A_52 : vector<16xi32>
      %add3A_54 = arith.addi %gather3A, %unique3A_50 : vector<16xi32>
      tpu.vector_store_idx %arg9[%get3A_49], %add3A_54 masked %unique3A : memref<704xi32, #tpu.memory_space<vmem>>[vector<16xi32>], vector<16xi32>, vector<16xi1>
      %mul3A_55 = arith.constant 4 : i32
      %mul3A_56 = vector.broadcast %mul3A_55 : i32 to vector<16xi32>
      %mul3A_57 = arith.muli %sub3A_53, %mul3A_56 : vector<16xi32>
      %mul3A_58 = arith.constant 4 : i32
      %mul3A_59 = vector.broadcast %mul3A_58 : i32 to vector<16xi32>
      %mul3A_60 = arith.muli %add3A_44, %mul3A_59 : vector<16xi32>
      %add3A_61 = arith.constant 0 : i32
      %add3A_62 = vector.broadcast %add3A_61 : i32 to vector<16xi32>
      %add3A_63 = arith.addi %mul3A_60, %add3A_62 : vector<16xi32>
      %gather3A_64 = tpu.vector_load_idx %arg5[%add3A_63] : memref<50048xf32, #tpu.memory_space<vmem>>[vector<16xi32>], vector<16xf32>,
      %add3A_65 = arith.constant 0 : i32
      %add3A_66 = vector.broadcast %add3A_65 : i32 to vector<16xi32>
      %add3A_67 = arith.addi %mul3A_57, %add3A_66 : vector<16xi32>
      tpu.vector_store_idx %arg6[%add3A_67], %gather3A_64 masked %lt3A_46 : memref<50000xf32, #tpu.memory_space<vmem>>[vector<16xi32>], vector<16xf32>, vector<16xi1>
      %mul3A_68 = arith.constant 4 : i32
      %mul3A_69 = vector.broadcast %mul3A_68 : i32 to vector<16xi32>
      %mul3A_70 = arith.muli %add3A_44, %mul3A_69 : vector<16xi32>
      %add3A_71 = arith.constant 1 : i32
      %add3A_72 = vector.broadcast %add3A_71 : i32 to vector<16xi32>
      %add3A_73 = arith.addi %mul3A_70, %add3A_72 : vector<16xi32>
      %gather3A_74 = tpu.vector_load_idx %arg5[%add3A_73] : memref<50048xf32, #tpu.memory_space<vmem>>[vector<16xi32>], vector<16xf32>,
      %add3A_75 = arith.constant 1 : i32
      %add3A_76 = vector.broadcast %add3A_75 : i32 to vector<16xi32>
      %add3A_77 = arith.addi %mul3A_57, %add3A_76 : vector<16xi32>
      tpu.vector_store_idx %arg6[%add3A_77], %gather3A_74 masked %lt3A_46 : memref<50000xf32, #tpu.memory_space<vmem>>[vector<16xi32>], vector<16xf32>, vector<16xi1>
      %mul3A_78 = arith.constant 4 : i32
      %mul3A_79 = vector.broadcast %mul3A_78 : i32 to vector<16xi32>
      %mul3A_80 = arith.muli %add3A_44, %mul3A_79 : vector<16xi32>
      %add3A_81 = arith.constant 2 : i32
      %add3A_82 = vector.broadcast %add3A_81 : i32 to vector<16xi32>
      %add3A_83 = arith.addi %mul3A_80, %add3A_82 : vector<16xi32>
      %gather3A_84 = tpu.vector_load_idx %arg5[%add3A_83] : memref<50048xf32, #tpu.memory_space<vmem>>[vector<16xi32>], vector<16xf32>,
      %add3A_85 = arith.constant 2 : i32
      %add3A_86 = vector.broadcast %add3A_85 : i32 to vector<16xi32>
      %add3A_87 = arith.addi %mul3A_57, %add3A_86 : vector<16xi32>
      tpu.vector_store_idx %arg6[%add3A_87], %gather3A_84 masked %lt3A_46 : memref<50000xf32, #tpu.memory_space<vmem>>[vector<16xi32>], vector<16xf32>, vector<16xi1>
      %mul3A_88 = arith.constant 4 : i32
      %mul3A_89 = vector.broadcast %mul3A_88 : i32 to vector<16xi32>
      %mul3A_90 = arith.muli %add3A_44, %mul3A_89 : vector<16xi32>
      %add3A_91 = arith.constant 3 : i32
      %add3A_92 = vector.broadcast %add3A_91 : i32 to vector<16xi32>
      %add3A_93 = arith.addi %mul3A_90, %add3A_92 : vector<16xi32>
      %gather3A_94 = tpu.vector_load_idx %arg5[%add3A_93] : memref<50048xf32, #tpu.memory_space<vmem>>[vector<16xi32>], vector<16xf32>,
      %add3A_95 = arith.constant 3 : i32
      %add3A_96 = vector.broadcast %add3A_95 : i32 to vector<16xi32>
      %add3A_97 = arith.addi %mul3A_57, %add3A_96 : vector<16xi32>
      tpu.vector_store_idx %arg6[%add3A_97], %gather3A_94 masked %lt3A_46 : memref<50000xf32, #tpu.memory_space<vmem>>[vector<16xi32>], vector<16xf32>, vector<16xi1>
      %scan3A_98 = arith.constant 0 : i32
      scf.yield %scan3A_98 : i32
    }
    %scan3A_38 = arith.constant 782 : i32
    "tpu.region"() ({
      %run_scoped3A = tpu.sem_alloc : memref<!tpu.dma_semaphore, #tpu.memory_space<semaphore_mem>>
      %dma_start3A = tpu.memref_slice %arg3[%multiple_of3A] : memref<1600144xf32, #tpu.memory_space<hbm>> -> memref<50000xf32, #tpu.memory_space<hbm>>
      %dma_start3A_39 = tpu.memref_slice %arg3[%multiple_of3A] : memref<1600144xf32, #tpu.memory_space<hbm>> -> memref<50000xf32, #tpu.memory_space<hbm>>
      tpu.enqueue_dma source(%arg6 : memref<50000xf32, #tpu.memory_space<vmem>>) target(%dma_start3A_39 : memref<50000xf32, #tpu.memory_space<hbm>>) target_semaphore(%run_scoped3A : memref<!tpu.dma_semaphore, #tpu.memory_space<semaphore_mem>>)
      %dma_wait3A = tpu.memref_slice %arg3[%multiple_of3A] : memref<1600144xf32, #tpu.memory_space<hbm>> -> memref<50000xf32, #tpu.memory_space<hbm>>
      %dma_wait3A_40 = tpu.memref_slice %arg3[%multiple_of3A] : memref<1600144xf32, #tpu.memory_space<hbm>> -> memref<50000xf32, #tpu.memory_space<hbm>>
      tpu.wait_dma2 semaphore(%run_scoped3A : memref<!tpu.dma_semaphore, #tpu.memory_space<semaphore_mem>>) src(%arg6 : memref<50000xf32, #tpu.memory_space<vmem>>) dst(%dma_wait3A_40 : memref<50000xf32, #tpu.memory_space<hbm>>)
      tpu.yield
    }) : () -> ()
    return
  }
}

#map = affine_map<(d0, d1) -> (0)>
#map1 = affine_map<(d0, d1) -> (0, 0)>
module attributes {stable_mosaic.version = 14 : i64} {
  func.func @_pool_kernel(%arg0: i32, %arg1: i32, %arg2: memref<1600144xf32, #tpu.memory_space<hbm>>, %arg3: memref<23040xi32, #tpu.memory_space<hbm>>, %arg4: memref<224xf32, #tpu.memory_space<hbm>>, %arg5: memref<563200x32xf32, #tpu.memory_space<hbm>>, %arg6: memref<23040xi32, #tpu.memory_space<vmem>>, %arg7: memref<224xf32, #tpu.memory_space<vmem>>, %arg8: memref<800x32xf32, #tpu.memory_space<vmem>>, %arg9: memref<144xf32, #tpu.memory_space<vmem>>) attributes {dimension_semantics = [#tpu.dimension_semantics<core_parallel>, #tpu.dimension_semantics<subcore_parallel>], iteration_bounds = array<i64: 2, 16>, scalar_prefetch = 0 : i64, scratch_operands = 4 : i64, tpu.core_type = #tpu.core_type<sc_vector_subcore>, window_params = [{transform_indices = #map}, {transform_indices = #map}, {transform_indices = #map}, {transform_indices = #map1}]} {
    %mul3A = arith.constant 2 : i32
    %mul3A_0 = arith.muli %arg1, %mul3A : i32
    %add3A = arith.addi %mul3A_0, %arg0 : i32
    "tpu.region"() ({
      %run_scoped3A = tpu.sem_alloc : memref<!tpu.dma_semaphore, #tpu.memory_space<semaphore_mem>>
      tpu.enqueue_dma source(%arg3 : memref<23040xi32, #tpu.memory_space<hbm>>) target(%arg6 : memref<23040xi32, #tpu.memory_space<vmem>>) target_semaphore(%run_scoped3A : memref<!tpu.dma_semaphore, #tpu.memory_space<semaphore_mem>>)
      tpu.wait_dma2 semaphore(%run_scoped3A : memref<!tpu.dma_semaphore, #tpu.memory_space<semaphore_mem>>) src(%arg3 : memref<23040xi32, #tpu.memory_space<hbm>>) dst(%arg6 : memref<23040xi32, #tpu.memory_space<vmem>>)
      tpu.yield
    }) : () -> ()
    "tpu.region"() ({
      %run_scoped3A = tpu.sem_alloc : memref<!tpu.dma_semaphore, #tpu.memory_space<semaphore_mem>>
      tpu.enqueue_dma source(%arg4 : memref<224xf32, #tpu.memory_space<hbm>>) target(%arg7 : memref<224xf32, #tpu.memory_space<vmem>>) target_semaphore(%run_scoped3A : memref<!tpu.dma_semaphore, #tpu.memory_space<semaphore_mem>>)
      tpu.wait_dma2 semaphore(%run_scoped3A : memref<!tpu.dma_semaphore, #tpu.memory_space<semaphore_mem>>) src(%arg4 : memref<224xf32, #tpu.memory_space<hbm>>) dst(%arg7 : memref<224xf32, #tpu.memory_space<vmem>>)
      tpu.yield
    }) : () -> ()
    %get3A = arith.constant 0 : index
    %get3A_1 = tpu.vector_load %arg7[%get3A] {strides = array<i32>} : memref<224xf32, #tpu.memory_space<vmem>>, vector<16xf32>,
    %get3A_2 = arith.constant 16 : index
    %get3A_3 = tpu.vector_load %arg7[%get3A_2] {strides = array<i32>} : memref<224xf32, #tpu.memory_space<vmem>>, vector<16xf32>,
    %get3A_4 = arith.constant 32 : index
    %get3A_5 = tpu.vector_load %arg7[%get3A_4] {strides = array<i32>} : memref<224xf32, #tpu.memory_space<vmem>>, vector<16xf32>,
    %get3A_6 = arith.constant 48 : index
    %get3A_7 = tpu.vector_load %arg7[%get3A_6] {strides = array<i32>} : memref<224xf32, #tpu.memory_space<vmem>>, vector<16xf32>,
    %get3A_8 = arith.constant 64 : index
    %get3A_9 = tpu.vector_load %arg7[%get3A_8] {strides = array<i32>} : memref<224xf32, #tpu.memory_space<vmem>>, vector<16xf32>,
    %get3A_10 = arith.constant 80 : index
    %get3A_11 = tpu.vector_load %arg7[%get3A_10] {strides = array<i32>} : memref<224xf32, #tpu.memory_space<vmem>>, vector<16xf32>,
    %get3A_12 = arith.constant 96 : index
    %get3A_13 = tpu.vector_load %arg7[%get3A_12] {strides = array<i32>} : memref<224xf32, #tpu.memory_space<vmem>>, vector<16xf32>,
    %get3A_14 = arith.constant 112 : index
    %get3A_15 = tpu.vector_load %arg7[%get3A_14] {strides = array<i32>} : memref<224xf32, #tpu.memory_space<vmem>>, vector<16xf32>,
    %get3A_16 = arith.constant 128 : index
    %get3A_17 = tpu.vector_load %arg7[%get3A_16] {strides = array<i32>} : memref<224xf32, #tpu.memory_space<vmem>>, vector<16xf32>,
    %get3A_18 = arith.constant 144 : index
    %get3A_19 = tpu.vector_load %arg7[%get3A_18] {strides = array<i32>} : memref<224xf32, #tpu.memory_space<vmem>>, vector<16xf32>,
    %get3A_20 = arith.constant 160 : index
    %get3A_21 = tpu.vector_load %arg7[%get3A_20] {strides = array<i32>} : memref<224xf32, #tpu.memory_space<vmem>>, vector<16xf32>,
    %get3A_22 = arith.constant 176 : index
    %get3A_23 = tpu.vector_load %arg7[%get3A_22] {strides = array<i32>} : memref<224xf32, #tpu.memory_space<vmem>>, vector<16xf32>,
    %get3A_24 = arith.constant 192 : index
    %get3A_25 = tpu.vector_load %arg7[%get3A_24] {strides = array<i32>} : memref<224xf32, #tpu.memory_space<vmem>>, vector<16xf32>,
    %get3A_26 = arith.constant 208 : index
    %get3A_27 = tpu.vector_load %arg7[%get3A_26] {strides = array<i32>} : memref<224xf32, #tpu.memory_space<vmem>>, vector<16xf32>,
    %scan3A = arith.constant 0 : i32
    %scan3A_28 = arith.constant 0 : i32
    %scan3A_29 = arith.constant 22 : i32
    %scan3A_30 = arith.addi %scan3A_28, %scan3A_29 : i32
    %scan3A_31 = arith.constant 1 : i32
    %scan3A_32 = scf.for %scan3A_34 = %scan3A_28 to %scan3A_30 step %scan3A_31 iter_args(%scan3A_35 = %scan3A) -> (i32)  : i32 {
      %mul3A_36 = arith.constant 32 : i32
      %mul3A_37 = arith.muli %mul3A_36, %scan3A_34 : i32
      %add3A_38 = arith.addi %add3A, %mul3A_37 : i32
      %broadcast_in_dim3A = arith.constant 0.000000e+00 : f32
      %broadcast_in_dim3A_39 = vector.broadcast %broadcast_in_dim3A : f32 to vector<16xf32>
      %scan3A_40 = arith.constant 0 : i32
      %scan3A_41 = arith.constant 0 : i32
      %scan3A_42 = arith.constant 800 : i32
      %scan3A_43 = arith.addi %scan3A_41, %scan3A_42 : i32
      %scan3A_44 = arith.constant 1 : i32
      %scan3A_45 = scf.for %scan3A_62 = %scan3A_41 to %scan3A_43 step %scan3A_44 iter_args(%scan3A_63 = %scan3A_40) -> (i32)  : i32 {
        %swap3A = arith.index_cast %scan3A_62 : i32 to index
        %swap3A_64 = arith.constant 0 : index
        %swap3A_65 = tpu.vector_load %arg8[%swap3A, %swap3A_64] {strides = array<i32>} : memref<800x32xf32, #tpu.memory_space<vmem>>, vector<16xf32>,
        tpu.vector_store %arg8[%swap3A, %swap3A_64], %broadcast_in_dim3A_39 {strides = array<i32>} : memref<800x32xf32, #tpu.memory_space<vmem>>, vector<16xf32>,
        %swap3A_66 = arith.index_cast %scan3A_62 : i32 to index
        %swap3A_67 = arith.constant 16 : index
        %swap3A_68 = tpu.vector_load %arg8[%swap3A_66, %swap3A_67] {strides = array<i32>} : memref<800x32xf32, #tpu.memory_space<vmem>>, vector<16xf32>,
        tpu.vector_store %arg8[%swap3A_66, %swap3A_67], %broadcast_in_dim3A_39 {strides = array<i32>} : memref<800x32xf32, #tpu.memory_space<vmem>>, vector<16xf32>,
        %scan3A_69 = arith.constant 0 : i32
        scf.yield %scan3A_69 : i32
      }
      %scan3A_46 = arith.constant 800 : i32
      %broadcast_in_dim3A_47 = vector.broadcast %add3A_38 : i32 to vector<16xi32>
      %convert_element_type3A = arith.sitofp %broadcast_in_dim3A_47 : vector<16xi32> to vector<16xf32>
      %mul3A_48 = arith.mulf %get3A_21, %convert_element_type3A : vector<16xf32>
      %add3A_49 = arith.addf %get3A_25, %mul3A_48 : vector<16xf32>
      %mul3A_50 = arith.mulf %get3A_23, %convert_element_type3A : vector<16xf32>
      %add3A_51 = arith.addf %get3A_27, %mul3A_50 : vector<16xf32>
      %scan3A_52 = arith.constant 0 : i32
      %scan3A_53 = arith.constant 0 : i32
      %scan3A_54 = arith.constant 32 : i32
      %scan3A_55 = arith.addi %scan3A_53, %scan3A_54 : i32
      %scan3A_56 = arith.constant 1 : i32
      %scan3A_57 = scf.for %scan3A_62 = %scan3A_53 to %scan3A_55 step %scan3A_56 iter_args(%scan3A_63 = %scan3A_52) -> (i32)  : i32 {
        %mul3A_64 = arith.constant 720 : i32
        %mul3A_65 = arith.muli %scan3A_62, %mul3A_64 : i32
        %add3A_66 = arith.addi %mul3A_65, %add3A_38 : i32
        %get3A_67 = arith.index_cast %add3A_66 : i32 to index
        %get3A_68 = tpu.vector_load %arg6[%get3A_67] {strides = array<i32>} : memref<23040xi32, #tpu.memory_space<vmem>>, vector<16xi32>,
        %slice3A = vector.extract_strided_slice %get3A_68 {offsets = [0], sizes = [1], strides = [1]} : vector<16xi32> to vector<1xi32>
        %squeeze3A = vector.extract %slice3A[0] : i32 from vector<1xi32>
        %slice3A_69 = vector.extract_strided_slice %get3A_68 {offsets = [1], sizes = [1], strides = [1]} : vector<16xi32> to vector<1xi32>
        %squeeze3A_70 = vector.extract %slice3A_69[0] : i32 from vector<1xi32>
        %sub3A = arith.subi %squeeze3A_70, %squeeze3A : i32
        %mul3A_71 = arith.constant 12500 : i32
        %mul3A_72 = arith.muli %scan3A_62, %mul3A_71 : i32
        %add3A_73 = arith.addi %mul3A_72, %squeeze3A : i32
        %while3A = arith.constant 0 : i32
        %while3A_74 = scf.while (%while3A_76 = %while3A) : (i32) -> i32 {
          %lt3A = arith.cmpi slt, %while3A_76, %sub3A : i32
          scf.condition(%lt3A) %while3A_76 : i32
        } do {
        ^bb0(%while3A_76: i32):
          %add3A_77 = arith.addi %add3A_73, %while3A_76 : i32
          %and3A = arith.constant -2 : i32
          %and3A_78 = arith.andi %add3A_77, %and3A : i32
          %sub3A_79 = arith.subi %add3A_77, %and3A_78 : i32
          %sub3A_80 = arith.constant 32 : i32
          %sub3A_81 = arith.subi %sub3A_80, %sub3A_79 : i32
          %sub3A_82 = arith.subi %sub3A, %while3A_76 : i32
          %min3A = arith.minsi %sub3A_81, %sub3A_82 : i32
          %mul3A_83 = arith.constant 4 : i32
          %mul3A_84 = arith.muli %and3A_78, %mul3A_83 : i32
          %multiple_of3A_85 = tpu.assume_multiple %mul3A_84, 8 : i32
          "tpu.region"() ({
            %run_scoped3A = tpu.sem_alloc : memref<!tpu.dma_semaphore, #tpu.memory_space<semaphore_mem>>
            %dma_start3A = arith.constant 0 : i32
            %dma_start3A_99 = tpu.memref_slice %arg9[%dma_start3A] : memref<144xf32, #tpu.memory_space<vmem>> -> memref<128xf32, #tpu.memory_space<vmem>>
            %dma_start3A_100 = tpu.memref_slice %arg2[%multiple_of3A_85] : memref<1600144xf32, #tpu.memory_space<hbm>> -> memref<128xf32, #tpu.memory_space<hbm>>
            %dma_start3A_101 = arith.constant 0 : i32
            %dma_start3A_102 = tpu.memref_slice %arg9[%dma_start3A_101] : memref<144xf32, #tpu.memory_space<vmem>> -> memref<128xf32, #tpu.memory_space<vmem>>
            %dma_start3A_103 = tpu.memref_slice %arg2[%multiple_of3A_85] : memref<1600144xf32, #tpu.memory_space<hbm>> -> memref<128xf32, #tpu.memory_space<hbm>>
            tpu.enqueue_dma source(%dma_start3A_103 : memref<128xf32, #tpu.memory_space<hbm>>) target(%dma_start3A_102 : memref<128xf32, #tpu.memory_space<vmem>>) target_semaphore(%run_scoped3A : memref<!tpu.dma_semaphore, #tpu.memory_space<semaphore_mem>>)
            %dma_wait3A = arith.constant 0 : i32
            %dma_wait3A_104 = tpu.memref_slice %arg9[%dma_wait3A] : memref<144xf32, #tpu.memory_space<vmem>> -> memref<128xf32, #tpu.memory_space<vmem>>
            %dma_wait3A_105 = tpu.memref_slice %arg2[%multiple_of3A_85] : memref<1600144xf32, #tpu.memory_space<hbm>> -> memref<128xf32, #tpu.memory_space<hbm>>
            %dma_wait3A_106 = arith.constant 0 : i32
            %dma_wait3A_107 = tpu.memref_slice %arg9[%dma_wait3A_106] : memref<144xf32, #tpu.memory_space<vmem>> -> memref<128xf32, #tpu.memory_space<vmem>>
            %dma_wait3A_108 = tpu.memref_slice %arg2[%multiple_of3A_85] : memref<1600144xf32, #tpu.memory_space<hbm>> -> memref<128xf32, #tpu.memory_space<hbm>>
            tpu.wait_dma2 semaphore(%run_scoped3A : memref<!tpu.dma_semaphore, #tpu.memory_space<semaphore_mem>>) src(%dma_wait3A_108 : memref<128xf32, #tpu.memory_space<hbm>>) dst(%dma_wait3A_107 : memref<128xf32, #tpu.memory_space<vmem>>)
            tpu.yield
          }) : () -> ()
          %while3A_86 = arith.constant 0 : i32
          %while3A_87 = arith.constant 0 : i32
          %while3A_88 = arith.subi %min3A, %while3A_86 : i32
          %while3A_89 = arith.addi %while3A_86, %while3A_88 : i32
          %while3A_90 = arith.constant 1 : i32
          %while3A_91 = arith.divsi %while3A_88, %while3A_90 : i32
          %while3A_92 = arith.muli %while3A_91, %while3A_90 : i32
          %while3A_93 = arith.addi %while3A_86, %while3A_92 : i32
          %while3A_94 = arith.constant 1 : i32
          %while3A_95 = scf.for %while3A_99 = %while3A_86 to %while3A_93 step %while3A_94 iter_args(%while3A_100 = %while3A_87) -> (i32)  : i32 {
            %add3A_101 = arith.addi %sub3A_79, %while3A_99 : i32
            %mul3A_102 = arith.constant 4 : i32
            %mul3A_103 = arith.muli %add3A_101, %mul3A_102 : i32
            %get3A_104 = arith.index_cast %mul3A_103 : i32 to index
            %get3A_105 = tpu.vector_load %arg9[%get3A_104] {strides = array<i32>} : memref<144xf32, #tpu.memory_space<vmem>>, vector<16xf32>,
            %add3A_106 = arith.constant 4.000000e+01 : f32
            %add3A_107 = vector.broadcast %add3A_106 : f32 to vector<16xf32>
            %add3A_108 = arith.addf %get3A_105, %add3A_107 : vector<16xf32>
            %div3A = arith.constant 1.000000e-01 : f32
            %div3A_109 = vector.broadcast %div3A : f32 to vector<16xf32>
            %div3A_110 = arith.divf %add3A_108, %div3A_109 : vector<16xf32>
            %convert_element_type3A_111 = arith.fptosi %div3A_110 : vector<16xf32> to vector<16xi32>
            %jit3A = arith.constant 0 : i32
            %jit3A_112 = arith.constant 799 : i32
            %max3A = vector.broadcast %jit3A : i32 to vector<16xi32>
            %max3A_113 = arith.maxsi %max3A, %convert_element_type3A_111 : vector<16xi32>
            %min3A_114 = vector.broadcast %jit3A_112 : i32 to vector<16xi32>
            %min3A_115 = arith.minsi %min3A_114, %max3A_113 : vector<16xi32>
            %slice3A_116 = vector.extract_strided_slice %min3A_115 {offsets = [1], sizes = [1], strides = [1]} : vector<16xi32> to vector<1xi32>
            %squeeze3A_117 = vector.extract %slice3A_116[0] : i32 from vector<1xi32>
            %slice3A_118 = vector.extract_strided_slice %get3A_105 {offsets = [0], sizes = [1], strides = [1]} : vector<16xf32> to vector<1xf32>
            %squeeze3A_119 = vector.extract %slice3A_118[0] : f32 from vector<1xf32>
            %broadcast_in_dim3A_120 = vector.broadcast %squeeze3A_119 : f32 to vector<16xf32>
            %slice3A_121 = vector.extract_strided_slice %get3A_105 {offsets = [1], sizes = [1], strides = [1]} : vector<16xf32> to vector<1xf32>
            %squeeze3A_122 = vector.extract %slice3A_121[0] : f32 from vector<1xf32>
            %broadcast_in_dim3A_123 = vector.broadcast %squeeze3A_122 : f32 to vector<16xf32>
            %slice3A_124 = vector.extract_strided_slice %get3A_105 {offsets = [2], sizes = [1], strides = [1]} : vector<16xf32> to vector<1xf32>
            %squeeze3A_125 = vector.extract %slice3A_124[0] : f32 from vector<1xf32>
            %broadcast_in_dim3A_126 = vector.broadcast %squeeze3A_125 : f32 to vector<16xf32>
            %slice3A_127 = vector.extract_strided_slice %get3A_105 {offsets = [3], sizes = [1], strides = [1]} : vector<16xf32> to vector<1xf32>
            %squeeze3A_128 = vector.extract %slice3A_127[0] : f32 from vector<1xf32>
            %broadcast_in_dim3A_129 = vector.broadcast %squeeze3A_128 : f32 to vector<16xf32>
            %broadcast_in_dim3A_130 = vector.broadcast %squeeze3A_117 : i32 to vector<16xi32>
            %convert_element_type3A_131 = arith.sitofp %broadcast_in_dim3A_130 : vector<16xi32> to vector<16xf32>
            %mul3A_132 = arith.mulf %broadcast_in_dim3A_120, %get3A_1 : vector<16xf32>
            %add3A_133 = arith.addf %add3A_49, %mul3A_132 : vector<16xf32>
            %mul3A_134 = arith.mulf %broadcast_in_dim3A_123, %get3A_5 : vector<16xf32>
            %add3A_135 = arith.addf %add3A_133, %mul3A_134 : vector<16xf32>
            %mul3A_136 = arith.mulf %broadcast_in_dim3A_126, %get3A_9 : vector<16xf32>
            %add3A_137 = arith.addf %add3A_135, %mul3A_136 : vector<16xf32>
            %mul3A_138 = arith.mulf %broadcast_in_dim3A_129, %get3A_13 : vector<16xf32>
            %add3A_139 = arith.addf %add3A_137, %mul3A_138 : vector<16xf32>
            %mul3A_140 = arith.mulf %convert_element_type3A_131, %get3A_17 : vector<16xf32>
            %add3A_141 = arith.addf %add3A_139, %mul3A_140 : vector<16xf32>
            %mul3A_142 = arith.mulf %broadcast_in_dim3A_120, %get3A_3 : vector<16xf32>
            %add3A_143 = arith.addf %add3A_51, %mul3A_142 : vector<16xf32>
            %mul3A_144 = arith.mulf %broadcast_in_dim3A_123, %get3A_7 : vector<16xf32>
            %add3A_145 = arith.addf %add3A_143, %mul3A_144 : vector<16xf32>
            %mul3A_146 = arith.mulf %broadcast_in_dim3A_126, %get3A_11 : vector<16xf32>
            %add3A_147 = arith.addf %add3A_145, %mul3A_146 : vector<16xf32>
            %mul3A_148 = arith.mulf %broadcast_in_dim3A_129, %get3A_15 : vector<16xf32>
            %add3A_149 = arith.addf %add3A_147, %mul3A_148 : vector<16xf32>
            %mul3A_150 = arith.mulf %convert_element_type3A_131, %get3A_19 : vector<16xf32>
            %add3A_151 = arith.addf %add3A_149, %mul3A_150 : vector<16xf32>
            %max3A_152 = arith.constant 0.000000e+00 : f32
            %max3A_153 = vector.broadcast %max3A_152 : f32 to vector<16xf32>
            %max3A_154 = arith.maximumf %add3A_141, %max3A_153 : vector<16xf32>
            %max3A_155 = arith.constant 0.000000e+00 : f32
            %max3A_156 = vector.broadcast %max3A_155 : f32 to vector<16xf32>
            %max3A_157 = arith.maximumf %add3A_151, %max3A_156 : vector<16xf32>
            %get3A_158 = arith.index_cast %squeeze3A_117 : i32 to index
            %get3A_159 = arith.constant 0 : index
            %get3A_160 = tpu.vector_load %arg8[%get3A_158, %get3A_159] {strides = array<i32>} : memref<800x32xf32, #tpu.memory_space<vmem>>, vector<16xf32>,
            %max3A_161 = arith.maximumf %get3A_160, %max3A_154 : vector<16xf32>
            %swap3A = arith.index_cast %squeeze3A_117 : i32 to index
            %swap3A_162 = arith.constant 0 : index
            %swap3A_163 = tpu.vector_load %arg8[%swap3A, %swap3A_162] {strides = array<i32>} : memref<800x32xf32, #tpu.memory_space<vmem>>, vector<16xf32>,
            tpu.vector_store %arg8[%swap3A, %swap3A_162], %max3A_161 {strides = array<i32>} : memref<800x32xf32, #tpu.memory_space<vmem>>, vector<16xf32>,
            %get3A_164 = arith.index_cast %squeeze3A_117 : i32 to index
            %get3A_165 = arith.constant 16 : index
            %get3A_166 = tpu.vector_load %arg8[%get3A_164, %get3A_165] {strides = array<i32>} : memref<800x32xf32, #tpu.memory_space<vmem>>, vector<16xf32>,
            %max3A_167 = arith.maximumf %get3A_166, %max3A_157 : vector<16xf32>
            %swap3A_168 = arith.index_cast %squeeze3A_117 : i32 to index
            %swap3A_169 = arith.constant 16 : index
            %swap3A_170 = tpu.vector_load %arg8[%swap3A_168, %swap3A_169] {strides = array<i32>} : memref<800x32xf32, #tpu.memory_space<vmem>>, vector<16xf32>,
            tpu.vector_store %arg8[%swap3A_168, %swap3A_169], %max3A_167 {strides = array<i32>} : memref<800x32xf32, #tpu.memory_space<vmem>>, vector<16xf32>,
            %while3A_171 = arith.constant 0 : i32
            scf.yield %while3A_171 : i32
          }
          %while3A_96 = arith.constant 1 : i32
          %while3A_97 = scf.for %while3A_99 = %while3A_93 to %while3A_89 step %while3A_96 iter_args(%while3A_100 = %while3A_95) -> (i32)  : i32 {
            %add3A_101 = arith.addi %sub3A_79, %while3A_99 : i32
            %mul3A_102 = arith.constant 4 : i32
            %mul3A_103 = arith.muli %add3A_101, %mul3A_102 : i32
            %get3A_104 = arith.index_cast %mul3A_103 : i32 to index
            %get3A_105 = tpu.vector_load %arg9[%get3A_104] {strides = array<i32>} : memref<144xf32, #tpu.memory_space<vmem>>, vector<16xf32>,
            %add3A_106 = arith.constant 4.000000e+01 : f32
            %add3A_107 = vector.broadcast %add3A_106 : f32 to vector<16xf32>
            %add3A_108 = arith.addf %get3A_105, %add3A_107 : vector<16xf32>
            %div3A = arith.constant 1.000000e-01 : f32
            %div3A_109 = vector.broadcast %div3A : f32 to vector<16xf32>
            %div3A_110 = arith.divf %add3A_108, %div3A_109 : vector<16xf32>
            %convert_element_type3A_111 = arith.fptosi %div3A_110 : vector<16xf32> to vector<16xi32>
            %jit3A = arith.constant 0 : i32
            %jit3A_112 = arith.constant 799 : i32
            %max3A = vector.broadcast %jit3A : i32 to vector<16xi32>
            %max3A_113 = arith.maxsi %max3A, %convert_element_type3A_111 : vector<16xi32>
            %min3A_114 = vector.broadcast %jit3A_112 : i32 to vector<16xi32>
            %min3A_115 = arith.minsi %min3A_114, %max3A_113 : vector<16xi32>
            %slice3A_116 = vector.extract_strided_slice %min3A_115 {offsets = [1], sizes = [1], strides = [1]} : vector<16xi32> to vector<1xi32>
            %squeeze3A_117 = vector.extract %slice3A_116[0] : i32 from vector<1xi32>
            %slice3A_118 = vector.extract_strided_slice %get3A_105 {offsets = [0], sizes = [1], strides = [1]} : vector<16xf32> to vector<1xf32>
            %squeeze3A_119 = vector.extract %slice3A_118[0] : f32 from vector<1xf32>
            %broadcast_in_dim3A_120 = vector.broadcast %squeeze3A_119 : f32 to vector<16xf32>
            %slice3A_121 = vector.extract_strided_slice %get3A_105 {offsets = [1], sizes = [1], strides = [1]} : vector<16xf32> to vector<1xf32>
            %squeeze3A_122 = vector.extract %slice3A_121[0] : f32 from vector<1xf32>
            %broadcast_in_dim3A_123 = vector.broadcast %squeeze3A_122 : f32 to vector<16xf32>
            %slice3A_124 = vector.extract_strided_slice %get3A_105 {offsets = [2], sizes = [1], strides = [1]} : vector<16xf32> to vector<1xf32>
            %squeeze3A_125 = vector.extract %slice3A_124[0] : f32 from vector<1xf32>
            %broadcast_in_dim3A_126 = vector.broadcast %squeeze3A_125 : f32 to vector<16xf32>
            %slice3A_127 = vector.extract_strided_slice %get3A_105 {offsets = [3], sizes = [1], strides = [1]} : vector<16xf32> to vector<1xf32>
            %squeeze3A_128 = vector.extract %slice3A_127[0] : f32 from vector<1xf32>
            %broadcast_in_dim3A_129 = vector.broadcast %squeeze3A_128 : f32 to vector<16xf32>
            %broadcast_in_dim3A_130 = vector.broadcast %squeeze3A_117 : i32 to vector<16xi32>
            %convert_element_type3A_131 = arith.sitofp %broadcast_in_dim3A_130 : vector<16xi32> to vector<16xf32>
            %mul3A_132 = arith.mulf %broadcast_in_dim3A_120, %get3A_1 : vector<16xf32>
            %add3A_133 = arith.addf %add3A_49, %mul3A_132 : vector<16xf32>
            %mul3A_134 = arith.mulf %broadcast_in_dim3A_123, %get3A_5 : vector<16xf32>
            %add3A_135 = arith.addf %add3A_133, %mul3A_134 : vector<16xf32>
            %mul3A_136 = arith.mulf %broadcast_in_dim3A_126, %get3A_9 : vector<16xf32>
            %add3A_137 = arith.addf %add3A_135, %mul3A_136 : vector<16xf32>
            %mul3A_138 = arith.mulf %broadcast_in_dim3A_129, %get3A_13 : vector<16xf32>
            %add3A_139 = arith.addf %add3A_137, %mul3A_138 : vector<16xf32>
            %mul3A_140 = arith.mulf %convert_element_type3A_131, %get3A_17 : vector<16xf32>
            %add3A_141 = arith.addf %add3A_139, %mul3A_140 : vector<16xf32>
            %mul3A_142 = arith.mulf %broadcast_in_dim3A_120, %get3A_3 : vector<16xf32>
            %add3A_143 = arith.addf %add3A_51, %mul3A_142 : vector<16xf32>
            %mul3A_144 = arith.mulf %broadcast_in_dim3A_123, %get3A_7 : vector<16xf32>
            %add3A_145 = arith.addf %add3A_143, %mul3A_144 : vector<16xf32>
            %mul3A_146 = arith.mulf %broadcast_in_dim3A_126, %get3A_11 : vector<16xf32>
            %add3A_147 = arith.addf %add3A_145, %mul3A_146 : vector<16xf32>
            %mul3A_148 = arith.mulf %broadcast_in_dim3A_129, %get3A_15 : vector<16xf32>
            %add3A_149 = arith.addf %add3A_147, %mul3A_148 : vector<16xf32>
            %mul3A_150 = arith.mulf %convert_element_type3A_131, %get3A_19 : vector<16xf32>
            %add3A_151 = arith.addf %add3A_149, %mul3A_150 : vector<16xf32>
            %max3A_152 = arith.constant 0.000000e+00 : f32
            %max3A_153 = vector.broadcast %max3A_152 : f32 to vector<16xf32>
            %max3A_154 = arith.maximumf %add3A_141, %max3A_153 : vector<16xf32>
            %max3A_155 = arith.constant 0.000000e+00 : f32
            %max3A_156 = vector.broadcast %max3A_155 : f32 to vector<16xf32>
            %max3A_157 = arith.maximumf %add3A_151, %max3A_156 : vector<16xf32>
            %get3A_158 = arith.index_cast %squeeze3A_117 : i32 to index
            %get3A_159 = arith.constant 0 : index
            %get3A_160 = tpu.vector_load %arg8[%get3A_158, %get3A_159] {strides = array<i32>} : memref<800x32xf32, #tpu.memory_space<vmem>>, vector<16xf32>,
            %max3A_161 = arith.maximumf %get3A_160, %max3A_154 : vector<16xf32>
            %swap3A = arith.index_cast %squeeze3A_117 : i32 to index
            %swap3A_162 = arith.constant 0 : index
            %swap3A_163 = tpu.vector_load %arg8[%swap3A, %swap3A_162] {strides = array<i32>} : memref<800x32xf32, #tpu.memory_space<vmem>>, vector<16xf32>,
            tpu.vector_store %arg8[%swap3A, %swap3A_162], %max3A_161 {strides = array<i32>} : memref<800x32xf32, #tpu.memory_space<vmem>>, vector<16xf32>,
            %get3A_164 = arith.index_cast %squeeze3A_117 : i32 to index
            %get3A_165 = arith.constant 16 : index
            %get3A_166 = tpu.vector_load %arg8[%get3A_164, %get3A_165] {strides = array<i32>} : memref<800x32xf32, #tpu.memory_space<vmem>>, vector<16xf32>,
            %max3A_167 = arith.maximumf %get3A_166, %max3A_157 : vector<16xf32>
            %swap3A_168 = arith.index_cast %squeeze3A_117 : i32 to index
            %swap3A_169 = arith.constant 16 : index
            %swap3A_170 = tpu.vector_load %arg8[%swap3A_168, %swap3A_169] {strides = array<i32>} : memref<800x32xf32, #tpu.memory_space<vmem>>, vector<16xf32>,
            tpu.vector_store %arg8[%swap3A_168, %swap3A_169], %max3A_167 {strides = array<i32>} : memref<800x32xf32, #tpu.memory_space<vmem>>, vector<16xf32>,
            %while3A_171 = arith.constant 0 : i32
            scf.yield %while3A_171 : i32
          }
          %add3A_98 = arith.addi %while3A_76, %min3A : i32
          scf.yield %add3A_98 : i32
        }
        %scan3A_75 = arith.constant 0 : i32
        scf.yield %scan3A_75 : i32
      }
      %scan3A_58 = arith.constant 32 : i32
      %mul3A_59 = arith.constant 800 : i32
      %mul3A_60 = arith.muli %add3A_38, %mul3A_59 : i32
      %multiple_of3A = tpu.assume_multiple %mul3A_60, 8 : i32
      "tpu.region"() ({
        %run_scoped3A = tpu.sem_alloc : memref<!tpu.dma_semaphore, #tpu.memory_space<semaphore_mem>>
        %dma_start3A = arith.constant 0 : i32
        %dma_start3A_62 = tpu.memref_slice %arg5[%multiple_of3A, %dma_start3A] : memref<563200x32xf32, #tpu.memory_space<hbm>> -> memref<800x32xf32, #tpu.memory_space<hbm>>
        %dma_start3A_63 = arith.constant 0 : i32
        %dma_start3A_64 = tpu.memref_slice %arg5[%multiple_of3A, %dma_start3A_63] : memref<563200x32xf32, #tpu.memory_space<hbm>> -> memref<800x32xf32, #tpu.memory_space<hbm>>
        tpu.enqueue_dma source(%arg8 : memref<800x32xf32, #tpu.memory_space<vmem>>) target(%dma_start3A_64 : memref<800x32xf32, #tpu.memory_space<hbm>>) target_semaphore(%run_scoped3A : memref<!tpu.dma_semaphore, #tpu.memory_space<semaphore_mem>>)
        %dma_wait3A = arith.constant 0 : i32
        %dma_wait3A_65 = tpu.memref_slice %arg5[%multiple_of3A, %dma_wait3A] : memref<563200x32xf32, #tpu.memory_space<hbm>> -> memref<800x32xf32, #tpu.memory_space<hbm>>
        %dma_wait3A_66 = arith.constant 0 : i32
        %dma_wait3A_67 = tpu.memref_slice %arg5[%multiple_of3A, %dma_wait3A_66] : memref<563200x32xf32, #tpu.memory_space<hbm>> -> memref<800x32xf32, #tpu.memory_space<hbm>>
        tpu.wait_dma2 semaphore(%run_scoped3A : memref<!tpu.dma_semaphore, #tpu.memory_space<semaphore_mem>>) src(%arg8 : memref<800x32xf32, #tpu.memory_space<vmem>>) dst(%dma_wait3A_67 : memref<800x32xf32, #tpu.memory_space<hbm>>)
        tpu.yield
      }) : () -> ()
      %scan3A_61 = arith.constant 0 : i32
      scf.yield %scan3A_61 : i32
    }
    %scan3A_33 = arith.constant 22 : i32
    return
  }
}

</mosaic_0001>

<sc_bundles>
// kernel: kernel.4.cloned.1.call-start
scs
__scs_entry_jumppad:
0x0: {  	(pc) =	sbr.rel $0x88, $3  }
0x1: {  	(tag) =	ssettag $0x0;
	lr =	simm.s32 $0x1  }
0x2: {  	[smem:$0x3F9E] =	sst lr;
	_ =	strace $0xD0000000  }
0x3: {  	_ = 	snop  }
0x4: {  	_ = 	snop  }
0x5: {  	_ = 	snop  }
0x6: {  	_ = 	snop  }
0x7: {  	_ = 	snop  }
__scs_overlays_trampoline_lowered:
0x8: {  	[smem:$0x3FAD] =	sst s0  }
0x9: {  	[smem:$0x3FAE] =	sst s1  }
0xa: {  	[smem:$0x3FAF] =	sst s2  }
0xb: {  	[smem:$0x3FB0] =	sst s3  }
0xc: {  	[smem:$0x3FB1] =	sst s4  }
0xd: {  	[smem:$0x3FB2] =	sst s5  }
0xe: {  	[smem:$0x3FB3] =	sst s6  }
0xf: {  	[smem:$0x3FB4] =	sst s7  }
0x10: {  	[smem:$0x3FB5] =	sst s8  }
0x11: {  	[smem:$0x3FB6] =	sst s9;
	s0 =	simm.s32 @!p0 $0x0  }
0x12: {  	s1 =	sld [smem:$0x3F9C];
	s0 =	simm.s32 @p0 $0x1  }
0x13: {  	[smem:$0x3FB7] =	sst s0;
	s0 =	simm.s32 @!p1 $0x0  }
0x14: {  	s2 =	sld [smem:$0x3F9B];
	s0 =	simm.s32 @p1 $0x1  }
0x15: {  	[smem:$0x3FB8] =	sst s0;
	s0 =	simm.s32 @!p2 $0x0  }
0x16: {  	s3 =	sld [smem:$0x3FDB];
	s0 =	simm.s32 @p2 $0x1  }
0x17: {  	s4 =	simm.s32 $0x1BF5;
	[smem:$0x3FBA] =	sst s0  }
0x18: {  	s0 =	sld [smem:$0x3F9D];
	_ =	swait.ge [sflag:s4], $0x0  }
0x19: {  	s7 =	sld [smem:$0x3F9E]  }
0x1a: {  	s8 =	sadd.s32 $0xFFFFE003, lr  }
0x1b: {  	s9 =	sadd.s32 $0xFFFFFEF7, lr;
	s5 =	simm.s32 $0xFFFFFFFF;
	p2 =	slt.u32 s8, $0xFFFFF086  }
0x1c: {  	p1 =	slt.u32 s9, $0xF7A;
	s5 =	simm.s32 @!p2 $0x0  }
0x1d: {  	s5 =	simm.s32 @p1 $0x1;
	p0 =	seq.s32 s7, s2  }
0x1e: {  	s7 =	smul.u32 @!p0 $0xF7A, s2;
	p2 =	seq.s32 @!p0 s5, $0x0  }
0x1f: {  	s9 =	smul.u32 $0xF7A, s1;
	s8 =	simm.s32 @!p0 $0x1BF5;
	p2 =	por !p2, p0  }
0x20: {  	[sflag:s8] =	ssyncset.s32 @!p0 $0xFFFFF086;
	s6 =	sadd.s32 @!p0 s3, s7;
	s7 =	simm.s32 @!p0 $0x108  }
0x21: {  	s3 =	sadd.s32 s3, s9;
	s6 =	sadd.s32 @!p0 $0x88, s6;
	s7 =	simm.s32 @p2 $0x1082  }
0x22: {  	[simem:s7], [sflag:s8] =	dma.local @!p0 [hbm:s6], $0xF7A  }
0x23: {  	s9 =	sor.u32 $0xD0000000, s2;
	s6 =	simm.s32 $0x108;
	_ =	swait.ge @!p0 [sflag:s8], $0x0  }
0x24: {  	s3 =	sadd.s32 $0x88, s3;
	s6 =	simm.s32 @!p1 $0x1082;
	[sflag:s4] =	ssyncset.s32 $0xFFFFF086  }
0x25: {  	[simem:s6], [sflag:s4] =	dma.local [hbm:s3], $0xF7A  }
0x26: {  	[smem:$0x3F9E] =	sst s1;
	(tag) =	ssettag s2;
	_ =	strace s9  }
0x27: {  	s1 =	sld [smem:$0x3FAE]  }
0x28: {  	s2 =	sld [smem:$0x3FAF]  }
0x29: {  	s4 =	sld [smem:$0x3FB1]  }
0x2a: {  	p0 =	seq.s32 s5, $0x0;
	s5 =	sld [smem:$0x3FB2]  }
0x2b: {  	s6 =	sld [smem:$0x3FB3]  }
0x2c: {  	s7 =	sld [smem:$0x3FB4]  }
0x2d: {  	s3 =	simm.s32 $0x108;
	s8 =	sld [smem:$0x3FB5]  }
0x2e: {  	s3 =	simm.s32 @!p0 $0x1082;
	s9 =	sld [smem:$0x3FB6]  }
0x2f: {  	lr =	sadd.s32 s0, s3;
	s0 =	sld [smem:$0x3FAD]  }
0x30: {  	s3 =	sld [smem:$0x3FB0]  }
0x31: {  	[smem:$0x3FB9] =	sst s10  }
0x32: {  	s10 =	sld [smem:$0x3FB7];
	_ =	sdelay $0x3  }
0x33: {  	p0 =	seq.s32 s10, $0x1;
	s10 =	sld [smem:$0x3FB9];
	_ =	sdelay $0x3  }
0x34: {  	[smem:$0x3FB9] =	sst s10  }
0x35: {  	s10 =	sld [smem:$0x3FB8];
	_ =	sdelay $0x3  }
0x36: {  	p1 =	seq.s32 s10, $0x1;
	s10 =	sld [smem:$0x3FB9];
	_ =	sdelay $0x3  }
0x37: {  	[smem:$0x3FB9] =	sst s10  }
0x38: {  	s10 =	sld [smem:$0x3FBA]  }
0x39: {  	_ = 	snop;
	(pc) =	sbr.ind lr, $3  }
0x3a: {  	_ = 	snop  }
0x3b: {  	_ = 	snop  }
0x3c: {  	p2 =	seq.s32 s10, $0x1;
	s10 =	sld [smem:$0x3FB9]  }
0x3d: {  	_ =	shalt  }
0x3e: {  	_ =	shalt  }
0x3f: {  	_ =	shalt  }
0x40: {  	_ =	shalt  }
0x41: {  	_ =	shalt  }
0x42: {  	_ =	shalt  }
0x43: {  	_ =	shalt  }
0x44: {  	_ =	shalt  }
0x45: {  	_ =	shalt  }
0x46: {  	_ =	shalt  }
0x47: {  	_ =	shalt  }
0x48: {  	_ =	shalt  }
0x49: {  	_ =	shalt  }
0x4a: {  	_ =	shalt  }
0x4b: {  	_ =	shalt  }
0x4c: {  	_ =	shalt  }
0x4d: {  	_ =	shalt  }
0x4e: {  	_ =	shalt  }
0x4f: {  	_ =	shalt  }
0x50: {  	_ =	shalt  }
0x51: {  	_ =	shalt  }
0x52: {  	_ =	shalt  }
0x53: {  	_ =	shalt  }
0x54: {  	_ =	shalt  }
0x55: {  	_ =	shalt  }
0x56: {  	_ =	shalt  }
0x57: {  	_ =	shalt  }
0x58: {  	_ =	shalt  }
0x59: {  	_ =	shalt  }
0x5a: {  	_ =	shalt  }
0x5b: {  	_ =	shalt  }
0x5c: {  	_ =	shalt  }
0x5d: {  	_ =	shalt  }
0x5e: {  	_ =	shalt  }
0x5f: {  	_ =	shalt  }
0x60: {  	_ =	shalt  }
0x61: {  	_ =	shalt  }
0x62: {  	_ =	shalt  }
0x63: {  	_ =	shalt  }
0x64: {  	_ =	shalt  }
0x65: {  	_ =	shalt  }
0x66: {  	_ =	shalt  }
0x67: {  	_ =	shalt  }
0x68: {  	_ =	shalt  }
0x69: {  	_ =	shalt  }
0x6a: {  	_ =	shalt  }
0x6b: {  	_ =	shalt  }
0x6c: {  	_ =	shalt  }
0x6d: {  	_ =	shalt  }
0x6e: {  	_ =	shalt  }
0x6f: {  	_ =	shalt  }
0x70: {  	_ =	shalt  }
0x71: {  	_ =	shalt  }
0x72: {  	_ =	shalt  }
0x73: {  	_ =	shalt  }
0x74: {  	_ =	shalt  }
0x75: {  	_ =	shalt  }
0x76: {  	_ =	shalt  }
0x77: {  	_ =	shalt  }
0x78: {  	_ =	shalt  }
0x79: {  	_ =	shalt  }
0x7a: {  	_ =	shalt  }
0x7b: {  	_ =	shalt  }
0x7c: {  	_ =	shalt  }
0x7d: {  	_ =	shalt  }
0x7e: {  	_ =	shalt  }
0x7f: {  	_ =	shalt  }
0x80: {  	_ =	shalt  }
0x81: {  	_ =	shalt  }
0x82: {  	_ =	shalt  }
0x83: {  	_ =	shalt  }
0x84: {  	_ =	shalt  }
0x85: {  	_ =	shalt  }
0x86: {  	_ =	shalt  }
0x87: {  	_ =	shalt  }
.Lfunc_end0:
.L_simem_size_0:
called_computation_lowered:
.L_overlay_start_0:
0x88: {  	s2 =	sld [smem:$0x3FD9]  }
0x89: {  	s3 =	sld [smem:$0x3FFE];
	_ =	sdelay $0x1  }
0x8a: {  	s1 =	srdreg.scid  }
0x8b: {  	s0 =	sand.u32 $0x1, s1  }
0x8c: {  	s17 =	sshll.u32 s0, $0xA;
	s2 =	sadd.s32 s3, s2  }
0x8d: {  	s2 =	sadd.s32 s2, s17  }
0x8e: {  	[smem:$0x3FC5] =	sst s2  }
0x8f: {  	_ = 	snop  }
0x90: {  	s2 =	sld [smem:$0x3FD0];
	(tm) =	ssettm $0x1  }
0x91: {  	s18 =	sld [smem:$0x3FFB];
	_ =	sdelay $0x3  }
0x92: {  	_ =	strace s18  }
0x93: {  	s3 =	sld [smem:$0x3FFC];
	_ =	sdelay $0x3  }
0x94: {  	_ =	strace s3  }
0x95: {  	s3 =	sld [smem:$0x3FFD];
	_ =	sdelay $0x3  }
0x96: {  	_ =	strace s3  }
0x97: {  	_ =	strace $0x8FFFFFFF  }
0x98: {  	s19 =	sld [smem:$0x3FDB];
	_ =	sdelay $0x1  }
0x99: {  	s4 =	simm.s32 $_scs_section_size  }
0x9a: {  	s5 =	simm.s32 $_size__tile_overlayer_lowered;
	s6 =	simm.s32 $_tile_overlayer_lowered  }
0x9b: {  	s22 =	simm.s32 $0x1BFF;
	s21 =	sshll.u32 s6, $0x1;
	s3 =	sadd.s32 s4, s19  }
0x9c: {  	s7 =	simm.s32 $0x0;
	s20 =	sshll.u32 s5, $0x1;
	s5 =	sadd.s32 s21, s3  }
0x9d: {  	[timem:s7], [sflag:s22] =	dma.local [hbm:s5], s20  }
0x9e: {  	_ =	swait.ge [sflag:s22], s20  }
0x9f: {  	s4 =	ssub.s32 $0x0, s20;
	[sflag:s22] =	ssyncset.done $0x0  }
0xa0: {  	[sflag:s22] =	ssyncadd.s32 s4;
	_ =	sdelay $0x1  }
0xa1: {  	s23 =	simm.s32 $0x1B8B  }
0xa2: {  	_ =	swait.ge [sflag:s23], $0x1  }
0xa3: {  	[sflag:s23] =	ssyncset.done $0x0  }
0xa4: {  	s25 =	simm.s32 $0x1B8E;
	s24 =	sld [smem:$0x3FFE];
	[sflag:s23] =	ssyncadd.s32 $0xFFFFFFFF  }
0xa5: {  	s26 =	simm.s32 $execute0_lowered;
	[smem:$0x3FD2] =	sst s25  }
0xa6: {  	s5 =	sshll.u32 s26, $0x1;
	_ =	strace $0x80000046;
	[dreg:$0x1] =	wrdreg $0xFFFFFFFF  }
0xa7: {  	s28 =	simm.s32 $_size_execute0_lowered;
	s3 =	sadd.s32 s3, s5;
	[dreg:$0x0] =	wrdreg $0x0  }
0xa8: {  	s5 =	sshll.u32 s28, $0x1;
	[dreg:$0x2] =	wrdreg s3  }
0xa9: {  	[dreg:$0x3] =	wrdreg s5  }
0xaa: {  	[dreg:$0x4] =	wrdreg $0xC0  }
0xab: {  	_ =	task [dreg:s7], $0x5FFFF  }
0xac: {  	[dreg:$0x1] =	wrdreg $0xFFFFFFFF  }
0xad: {  	[dreg:$0x0] =	wrdreg $0x60  }
0xae: {  	[dreg:$0x2] =	wrdreg s2  }
0xaf: {  	[dreg:$0x3] =	wrdreg s24  }
0xb0: {  	[dreg:$0x4] =	wrdreg $0x9  }
0xb1: {  	_ =	task.clear_ibuf [dreg:s7], $0x5FFFF;
	_ =	strace $0x90000046  }
0xb2: {  	s29 =	simm.s32 $0x9;
	_ =	strace $0x80000048  }
0xb3: {  	_ =	swait.ge [sflag:s29], $0x1  }
0xb4: {  	[sflag:s29] =	ssyncadd.s32 $0xFFFFFFFF  }
0xb5: {  	_ =	strace $0x90000048  }
0xb6: {  	_ =	sfence  }
0xb7: {  	s30 =	sld [smem:$0x0];
	_ =	sdelay $0x2  }
0xb8: {  	s31 =	sshll.u32 s1, $0xD;
	s1 =	sshrl.u32 s1, $0x2  }
0xb9: {  	s3 =	sand.u32 $0x4000, s31;
	s1 =	sadd.s32 s1, s30  }
0xba: {  	s0 =	sor.u32 s3, s0;
	s1 =	sshll.u32 s1, $0x11  }
0xbb: {  	s0 =	sor.u32 s1, s0  }
0xbc: {  	s0 =	sadd.s32 $0x8F2B, s0  }
0xbd: {  	[sflag:s0] =	ssyncadd.remote.s32 $0x1  }
0xbe: {  	_ =	sfence.sel $0xFFFF  }
0xbf: {  	[dreg:$0x0] =	wrdreg $0xFFFFFFFF;
	(pc) =	sbr.abs _section_cstart, $3  }
0xc0: {  	[dreg:$0x1] =	wrdreg $0xFFFFFFFF  }
0xc1: {  	_ =	task.clear_ibuf [dreg:s7], $0x2FFFF;
	_ =	strace $0x9FFFFFFF  }
0xc2: {  	(tm) =	ssettm $0x7FFFFFFF  }
0xc3: {  	_ =	shalt  }
tec
execute0_lowered:
.L_overlay_start_1:
0x0: {  	(tag) =	ssettag $0x1  }
0x1: {  	s3 =	rddreg [dreg:$0x0]  }
0x2: {  	s4 =	rddreg [dreg:$0x1];
	s1 =	simm.s32 $0x0  }
0x3: {  	[smem:$0x7FF] =	sst s1  }
0x4: {  	s0 =	rddreg [dreg:$0x2];
	v0 =	vimm.f32 $1.000000010e-01;
	_ =	strace $0x80000047  }
0x5: {  	(erf) = vrcp.f32 v0  }
0x6: {  	s5 =	srdreg.scid;
	s2 =	stileid.u32  }
0x7: {  	s5 =	sand.u32 $0x1, s5;
	s6 =	sshll.u32 s2, $0x1  }
0x8: {  	s6 =	sor.u32 s5, s6  }
0x9: {  	s5 =	ssub.s32 $0x2, s5;
	s7 =	smul.u32 $0x186A, s6  }
0xa: {  	s10 =	simm.s32 $0x1BB00;
	s6 =	smul.u32 $0x5A, s6;
	s9 =	sshrl.u32 s5, $0x1  }
0xb: {  	s11 =	simm.s32 $0xC380;
	s12 =	simm.s32 $0x0;
	s31 =	ssub.s32 s5, s9  }
0xc: {  	s9 =	simm.s32 $0x1BE00;
	s8 =	sadd.s32 s7, s4;
	s4 =	sadd.s32 s6, s4  }
0xd: {  	v1 =	vlaneseq.u32;
	v0 =	vimm.s32 $0x0;
	s3 =	sadd.s32 s3, s7;
	s6 =	smax.u32 s31, $0x1;
	s7 =	simm.s32 $0x1  }
0xe: {  	v3 =	vimm.s32 $0xF;
	vm0 =	vcmask $0x3F04;
	v4 =	vperm.xlane v0, v1;
	s4 =	sadd.s32 $0x32000, s4;
	s5 =	sadd.s32 $0x1200, s8;
	s8 =	simm.s32 $0x1B800;
	v2 =	vpop (erf)  }
.LBB2_1:
0xf: {  	[tilespmem:s1], [sflag:$0x1] =	stream.linear.gather [hbm4b:s3+s1], $0xC350, $0x38;
	[tilespmem:$0x1C100] =	vst v63  }
0x10: {  	_ =	swait.ge [sflag:s7], $0xC350  }
0x11: {  	[sflag:s7] =	ssyncset.done $0x0  }
0x12: {  	[sflag:s7] =	ssyncadd.s32 $0xFFFF3CB0  }
0x13: {  	[tilespmem:$0x1B800] =	vst v0  }
0x14: {  	[tilespmem:$0x1B810] =	vst v0  }
0x15: {  	[tilespmem:$0x1B820] =	vst v0  }
0x16: {  	[tilespmem:$0x1B830] =	vst v0  }
0x17: {  	[tilespmem:$0x1B840] =	vst v0  }
0x18: {  	[tilespmem:$0x1B850] =	vst v0  }
0x19: {  	[tilespmem:$0x1B860] =	vst v0  }
0x1a: {  	[tilespmem:$0x1B870] =	vst v0  }
0x1b: {  	[tilespmem:$0x1B880] =	vst v0  }
0x1c: {  	[tilespmem:$0x1B890] =	vst v0  }
0x1d: {  	[tilespmem:$0x1B8A0] =	vst v0  }
0x1e: {  	[tilespmem:$0x1B8B0] =	vst v0  }
0x1f: {  	[tilespmem:$0x1B8C0] =	vst v0  }
0x20: {  	[tilespmem:$0x1B8D0] =	vst v0  }
0x21: {  	[tilespmem:$0x1B8E0] =	vst v0  }
0x22: {  	[tilespmem:$0x1B8F0] =	vst v0  }
0x23: {  	[tilespmem:$0x1B900] =	vst v0  }
0x24: {  	[tilespmem:$0x1B910] =	vst v0  }
0x25: {  	[tilespmem:$0x1B920] =	vst v0  }
0x26: {  	[tilespmem:$0x1B930] =	vst v0  }
0x27: {  	[tilespmem:$0x1B940] =	vst v0  }
0x28: {  	[tilespmem:$0x1B950] =	vst v0  }
0x29: {  	[tilespmem:$0x1B960] =	vst v0  }
0x2a: {  	[tilespmem:$0x1B970] =	vst v0  }
0x2b: {  	[tilespmem:$0x1B980] =	vst v0  }
0x2c: {  	[tilespmem:$0x1B990] =	vst v0  }
0x2d: {  	[tilespmem:$0x1B9A0] =	vst v0  }
0x2e: {  	[tilespmem:$0x1B9B0] =	vst v0  }
0x2f: {  	[tilespmem:$0x1B9C0] =	vst v0  }
0x30: {  	[tilespmem:$0x1B9D0] =	vst v0  }
0x31: {  	[tilespmem:$0x1B9E0] =	vst v0  }
0x32: {  	[tilespmem:$0x1B9F0] =	vst v0  }
0x33: {  	[tilespmem:$0x1BA00] =	vst v0  }
0x34: {  	[tilespmem:$0x1BA10] =	vst v0  }
0x35: {  	[tilespmem:$0x1BA20] =	vst v0  }
0x36: {  	[tilespmem:$0x1BA30] =	vst v0  }
0x37: {  	[tilespmem:$0x1BA40] =	vst v0  }
0x38: {  	[tilespmem:$0x1BA50] =	vst v0  }
0x39: {  	v5 =	vor.u32 s1, v1;
	[tilespmem:$0x1BA60] =	vst v0  }
0x3a: {  	v6 =	vshll.u32 v5, $0x2;
	[tilespmem:$0x1BA70] =	vst v0  }
0x3b: {  	[tilespmem:$0x1BA80] =	vst v0  }
0x3c: {  	[tilespmem:$0x1BA90] =	vst v0  }
0x3d: {  	[tilespmem:$0x1BAA0] =	vst v0  }
0x3e: {  	[tilespmem:$0x1BAB0] =	vst v0  }
0x3f: {  	v6 =	vld.idx.msk [tilespmem:v6+s1+$0x0], $0xffff;
	_ =	sdelay $0x4  }
0x40: {  	v6 =	vmul.f32 v6, v2;
	_ =	sdelay $0x1  }
0x41: {  	v6 =	vtrunc.f32 v6  }
0x42: {  	v6 =	vcvt.f32.s32 v6;
	_ =	sdelay $0x1  }
0x43: {  	vm1 =	vgt.s32 v6, $0x0  }
0x44: {  	v6 =	vnsel vm1, $0x0, v6  }
0x45: {  	vm1 =	vlt.u32 v5, $0x30D4;
	v5 =	vmin.u32 v6, $0x2BF  }
0x46: {  	v6 =	vnsel vm1, $0x0, v5  }
0x47: {  	(xrf1) =	vunique.msk.u32 vm1, v6;
	_ =	sdelay $0xd  }
0x48: {  	s14 =	simm.s32 $0x18700;
	s13 =	simm.s32 $0x10;
	_, v7, vm1 =	vpop (xrf1)  }
0x49: {  	s15 =	simm.s32 $0x20;
	v5 =	vor.u32 s13, v1;
	[tilespmem:s14+$0x0] =	vst v6  }
.LBB2_2:
0x4a: {  	p0 =	sne.s32 s15, $0x30D0;
	v8 =	vshll.u32 v5, $0x2;
	_ =	sdelay $0x3  }
0x4b: {  	s13 =	simm.s32 $0x0;
	[tilespmem:v6+s8+$0x0] =	vst.idx.add.s32.msk vm1, v7  }
0x4c: {  	v6 =	vld.idx.msk [tilespmem:v8+s13+$0x0], $0xffff;
	_ =	sdelay $0x5  }
0x4d: {  	v6 =	vmul.f32 v6, v2;
	_ =	sdelay $0x1  }
0x4e: {  	v6 =	vtrunc.f32 v6  }
0x4f: {  	v6 =	vcvt.f32.s32 v6;
	_ =	sdelay $0x1  }
0x50: {  	vm1 =	vgt.s32 v6, $0x0  }
0x51: {  	v6 =	vnsel vm1, $0x0, v6  }
0x52: {  	vm1 =	vlt.u32 v5, $0x30D4;
	v5 =	vmin.u32 v6, $0x2BF  }
0x53: {  	s14 =	sadd.s32 $0x10, s14;
	v6 =	vnsel vm1, $0x0, v5  }
0x54: {  	[tilespmem:s14+$0x0] =	vst v6;
	(xrf1) =	vunique.msk.u32 vm1, v6;
	_ =	sdelay $0xa  }
.Ltmp0:
0x55: {  	(pc) =	sbr.rel @p0 .LBB2_2-.Ltmp0, $3  }
0x56: {  	_ =	sdelay $0x1  }
0x57: {  	_, v7, vm1 =	vpop (xrf1)  }
0x58: {  	v5 =	vor.u32 s15, v1;
	s15 =	sadd.s32 $0x10, s15  }
0x59: {  	_ = 	snop  }
0x5a: {  	v8 =	vshll.u32 v5, $0x2;
	_ =	sdelay $0x3  }
0x5b: {  	[tilespmem:v6+s8+$0x0] =	vst.idx.add.s32.msk vm1, v7  }
0x5c: {  	v6 =	vld.idx.msk [tilespmem:v8+s13+$0x0], $0xffff;
	_ =	sdelay $0x4  }
0x5d: {  	v6 =	vmul.f32 v6, v2;
	_ =	sdelay $0x1  }
0x5e: {  	v6 =	vtrunc.f32 v6  }
0x5f: {  	v6 =	vcvt.f32.s32 v6;
	_ =	sdelay $0x1  }
0x60: {  	vm1 =	vgt.s32 v6, $0x0  }
0x61: {  	v6 =	vnsel vm1, $0x0, v6  }
0x62: {  	vm1 =	vlt.u32 v5, $0x30D4;
	v5 =	vmin.u32 v6, $0x2BF  }
0x63: {  	v5 =	vnsel vm1, $0x0, v5  }
0x64: {  	(xrf1) =	vunique.msk.u32 vm1, v5;
	_ =	sdelay $0xd  }
0x65: {  	_, v6, vm1 =	vpop (xrf1)  }
0x66: {  	p1 =	por $0x1, $0x1  }
.Ltmp1:
0x67: {  	_ = 	snop;
	(pc) =	sbr.rel @!p1 .LBB2_8-.Ltmp1, $4  }
0x68: {  	_ = 	snop  }
0x69: {  	s14 =	sadd.s32 $0x10, s14  }
0x6a: {  	[tilespmem:s14+$0x0] =	vst v5  }
0x6b: {  	p0 =	por $0x0, $0x0;
	s15 =	simm.s32 $0x0;
	s14 =	simm.s32 $0x40;
	[tilespmem:v5+s8+$0x0] =	vst.idx.add.s32.msk vm1, v6  }
0x6c: {  	s16 =	simm.s32 $0x0  }
0x6d: {  	v5 =	vld [tilespmem:s16+$0x1B800];
	_ =	sdelay $0x4  }
0x6e: {  	(xrf0) =	vadd.scan.msk.s32 $0xffff, v5;
	_ =	sdelay $0x4  }
0x6f: {  	p1 =	por $0x1, $0x1  }
.Ltmp2:
0x70: {  	v6, _, _ =	vpop (xrf0);
	(pc) =	sbr.rel @!p1 .LBB2_5-.Ltmp2, $4  }
0x71: {  	v6 =	vadd.s32 s13, v6  }
0x72: {  	v5 =	vsub.s32 v6, v5;
	(v2sf) =	vpush v6, $0xF  }
0x73: {  	[tilespmem:s16+$0x1BB00] =	vst v5  }
0x74: {  	s15 =	simm.s32 $0x80;
	p0 =	por $0x1, $0x1;
	[tilespmem:s16+$0x1BE00] =	vst v5  }
.LBB2_6:
0x75: {  	p1 =	sne.s32 s15, $0xAC0;
	s16 =	sshra.s32 s14, $0x2;
	s14 =	smov.u32 s15  }
0x76: {  	v5 =	vld [tilespmem:s16+$0x1B800];
	_ =	sdelay $0x4  }
0x77: {  	(xrf0) =	vadd.scan.msk.s32 $0xffff, v5;
	_ =	sdelay $0x5  }
.Ltmp3:
0x78: {  	v6, _, _ =	vpop (xrf0);
	s17 =	spop (v2sf);
	(pc) =	sbr.rel @p1 .LBB2_6-.Ltmp3, $4  }
0x79: {  	v6 =	vadd.s32 s17, v6  }
0x7a: {  	v5 =	vsub.s32 v6, v5;
	(v2sf) =	vpush v6, $0xF  }
0x7b: {  	[tilespmem:s16+$0x1BB00] =	vst v5  }
0x7c: {  	s15 =	sadd.s32 $0x40, s15;
	[tilespmem:s16+$0x1BE00] =	vst v5  }
0x7d: {  	s15 =	smov.u32 s14  }
.LBB2_8:
0x7e: {  	s14 =	sshra.s32 s15, $0x2  }
0x7f: {  	v5 =	vld [tilespmem:s14+$0x1B800];
	_ =	sdelay $0x4  }
0x80: {  	(xrf0) =	vadd.scan.msk.s32 $0xffff, v5;
	_ =	sdelay $0x4  }
0x81: {  	s15 =	spop @p0 (v2sf)  }
0x82: {  	v6, _, _ =	vpop (xrf0);
	s13 =	smov.u32 @p0 s15  }
0x83: {  	v6 =	vadd.s32 s13, v6  }
0x84: {  	(v2sf) =	vpush v6, $0xF;
	_ =	sdelay $0x9  }
0x85: {  	v5 =	vsub.s32 v6, v5;
	v6 =	vperm.xlane v6, v3  }
0x86: {  	[tilespmem:s14+$0x1BB00] =	vst v5  }
0x87: {  	[tilespmem:s14+$0x1BE00] =	vst v5;
	v5 =	vsel vm0, v4, v6  }
0x88: {  	s31 =	simm.s32 $0x0;
	[tilespmem:$0x1C0C0] =	vst v5  }
0x89: {  	[hbm4b:s4+s31] =	stream.linear.scatter [tilespmem:s9], [sflag:$0x1], $0x2D0, $0x38;
	[tilespmem:$0x1C100] =	vst v63  }
0x8a: {  	s30 =	spop (v2sf)  }
0x8b: {  	_ =	swait.ge [sflag:s7], $0x2D0  }
0x8c: {  	[sflag:s7] =	ssyncset.done $0x0  }
0x8d: {  	s13 =	simm.s32 $0x18700;
	[sflag:s7] =	ssyncadd.s32 $0xFFFFFD30  }
0x8e: {  	v5 =	vld [tilespmem:s13+$0x0];
	_ =	sdelay $0x2  }
0x8f: {  	v6 =	vor.u32 s31, v1  }
0x90: {  	vm1 =	vlt.u32 v6, $0x30D4  }
0x91: {  	(xrf1) =	vunique.msk.u32 vm1, v5;
	_ =	sdelay $0xd  }
0x92: {  	v7 =	vld.idx.msk [tilespmem:v5+s10+$0x0], $0xffff;
	_, v8, vm2 =	vpop (xrf1);
	_ =	sdelay $0x1  }
0x93: {  	v6 =	vshll.u32 v6, $0x2;
	_ =	sdelay $0x2  }
0x94: {  	v7 =	vadd.s32 v7, v8  }
0x95: {  	[tilespmem:v5+s10+$0x0] =	vst.idx.msk vm2, v7;
	v7 =	vshll.u32 v7, $0x2  }
0x96: {  	v5 =	vld.idx.msk [tilespmem:v6+s1+$0x0], $0xffff;
	v8 =	vadd.s32 $0xFFFFFFFC, v7  }
0x97: {  	v9 =	vor.u32 $0x1, v6;
	_ =	sdelay $0x3  }
0x98: {  	[tilespmem:v8+s11+$0x0] =	vst.idx.msk vm1, v5  }
0x99: {  	v8 =	vadd.s32 $0xFFFFFFFD, v7;
	v5 =	vld.idx.msk [tilespmem:v9+s1+$0x0], $0xffff  }
0x9a: {  	v63 =	vor.u32 $0x2, v6;
	_ =	sdelay $0x3  }
0x9b: {  	[tilespmem:v8+s11+$0x0] =	vst.idx.msk vm1, v5  }
0x9c: {  	v8 =	vadd.s32 $0xFFFFFFFE, v7;
	v5 =	vld.idx.msk [tilespmem:v63+s1+$0x0], $0xffff  }
0x9d: {  	v6 =	vor.u32 $0x3, v6;
	_ =	sdelay $0x3  }
0x9e: {  	[tilespmem:v8+s11+$0x0] =	vst.idx.msk vm1, v5  }
0x9f: {  	s14 =	simm.s32 $0x10;
	v5 =	vld.idx.msk [tilespmem:v6+s1+$0x0], $0xffff;
	v6 =	vadd.s32 $0xFFFFFFFF, v7  }
.LBB2_9:
0xa0: {  	_ =	sdelay $0x2  }
0xa1: {  	p0 =	sne.s32 s14, $0x30D0  }
0xa2: {  	s13 =	sadd.s32 $0x10, s13;
	s15 =	smov.u32 s14;
	s14 =	sadd.s32 $0x10, s14;
	[tilespmem:v6+s11+$0x0] =	vst.idx.msk vm1, v5  }
0xa3: {  	v5 =	vld [tilespmem:s13+$0x0];
	_ =	sdelay $0x2  }
0xa4: {  	v6 =	vor.u32 s15, v1  }
0xa5: {  	vm1 =	vlt.u32 v6, $0x30D4  }
0xa6: {  	(xrf1) =	vunique.msk.u32 vm1, v5;
	_ =	sdelay $0xc  }
0xa7: {  	v7 =	vld.idx.msk [tilespmem:v5+s10+$0x0], $0xffff  }
0xa8: {  	_, v8, vm2 =	vpop (xrf1);
	_ =	sdelay $0x1  }
0xa9: {  	v6 =	vshll.u32 v6, $0x2;
	_ =	sdelay $0x2  }
0xaa: {  	v7 =	vadd.s32 v7, v8  }
0xab: {  	[tilespmem:v5+s10+$0x0] =	vst.idx.msk vm2, v7;
	v7 =	vshll.u32 v7, $0x2  }
0xac: {  	v5 =	vld.idx.msk [tilespmem:v6+s1+$0x0], $0xffff  }
0xad: {  	v8 =	vadd.s32 $0xFFFFFFFC, v7  }
0xae: {  	v9 =	vor.u32 $0x1, v6;
	_ =	sdelay $0x3  }
0xaf: {  	[tilespmem:v8+s11+$0x0] =	vst.idx.msk vm1, v5  }
0xb0: {  	v5 =	vld.idx.msk [tilespmem:v9+s1+$0x0], $0xffff  }
0xb1: {  	v8 =	vadd.s32 $0xFFFFFFFD, v7  }
0xb2: {  	v9 =	vor.u32 $0x2, v6;
	_ =	sdelay $0x3  }
0xb3: {  	[tilespmem:v8+s11+$0x0] =	vst.idx.msk vm1, v5  }
0xb4: {  	v5 =	vld.idx.msk [tilespmem:v9+s1+$0x0], $0xffff  }
0xb5: {  	v8 =	vadd.s32 $0xFFFFFFFE, v7  }
0xb6: {  	v6 =	vor.u32 $0x3, v6;
	_ =	sdelay $0x1  }
.Ltmp4:
0xb7: {  	(pc) =	sbr.rel @p0 .LBB2_9-.Ltmp4, $4  }
0xb8: {  	_ = 	snop  }
0xb9: {  	[tilespmem:v8+s11+$0x0] =	vst.idx.msk vm1, v5  }
0xba: {  	v5 =	vld.idx.msk [tilespmem:v6+s1+$0x0], $0xffff  }
0xbb: {  	v6 =	vadd.s32 $0xFFFFFFFF, v7  }
0xbc: {  	_ =	sdelay $0x3  }
0xbd: {  	s12 =	sadd.s32 $0x1, s12  }
0xbe: {  	p0 =	sne.s32 s12, s6;
	[tilespmem:v6+s11+$0x0] =	vst.idx.msk vm1, v5  }
0xbf: {  	[hbm4b:s5+s1] =	stream.linear.scatter [tilespmem:s11], [sflag:$0x1], $0xC350, $0x38;
	[tilespmem:$0x1C100] =	vst v63  }
.Ltmp5:
0xc0: {  	_ = 	snop;
	(pc) =	sbr.rel @p0 .LBB2_1-.Ltmp5, $4  }
.Ltmp6:
0xc1: {  	_ = 	snop;
	(pc) =	sbr.rel @!p0 .LBB2_11-.Ltmp6, $4  }
0xc2: {  	_ =	swait.ge [sflag:s7], $0xC350  }
0xc3: {  	[sflag:s7] =	ssyncset.done $0x0  }
0xc4: {  	[sflag:s7] =	ssyncadd.s32 $0xFFFF3CB0  }
0xc5: {  	_ = 	snop  }
.LBB2_5:
.Ltmp7:
0xc6: {  	(pc) =	sbr.rel .LBB2_8-.Ltmp7, $2  }
0xc7: {  	_ =	sdelay $0x2  }
0xc8: {  	s15 =	simm.s32 $0x40  }
.LBB2_11:
0xc9: {  	_ =	sfence.sel $0x180000  }
0xca: {  	[bflag:$0x0] =	sbarrier.arrive $0xFFFF  }
0xcb: {  	p0 =	sne.s32 s2, $0x0;
	_ =	strace $0x90000047  }
0xcc: {  	s0 =	sadd.s32 @!p0 $0x100000, s0;
	[bflag:$0x2] =	sbarrier.arrive $0xFFFF  }
0xcd: {  	[sflag:s0] =	ssyncadd.tile.s32 @!p0 $0x1;
	_ =	shalt  }
.Lfunc_end2:
_tile_overlayer_lowered:
.L_overlay_start_2:
0xce: {  	(tag) =	ssettag $0x2  }
0xcf: {  	s0 =	rddreg [dreg:$0x0];
	s2 =	stileid.u32  }
0xd0: {  	s1 =	rddreg [dreg:$0x1];
	p0 =	sne.s32 s2, $0x0  }
0xd1: {  	s3 =	rddreg [dreg:$0x2];
	[bflag:$0x3] =	sbarrier.arrive $0xFFFF;
	s2 =	simm.s32 @!p0 $0x1C01  }
0xd2: {  	[timem:s3], [sflag:s2] =	dma.local @!p0 [hbm:s0], s1  }
0xd3: {  	s0 =	simm.s32 @!p0 $0x1  }
0xd4: {  	_ =	swait.ge @!p0 [sflag:s0], s1  }
0xd5: {  	s1 =	ssub.s32 @!p0 $0x0, s1;
	[sflag:s0] =	ssyncset.done @!p0 $0x0  }
0xd6: {  	[sflag:s0] =	ssyncadd.s32 @!p0 s1  }
0xd7: {  	[bflag:$0x3] =	sbarrier.arrive $0xFFFF  }
0xd8: {  	_ =	shalt  }

// kernel: kernel.7.cloned.1.call-start
scs
__scs_entry_jumppad:
0x0: {  	(pc) =	sbr.rel $0x88, $3  }
0x1: {  	(tag) =	ssettag $0x0;
	lr =	simm.s32 $0x1  }
0x2: {  	[smem:$0x3F9E] =	sst lr;
	_ =	strace $0xD0000000  }
0x3: {  	_ = 	snop  }
0x4: {  	_ = 	snop  }
0x5: {  	_ = 	snop  }
0x6: {  	_ = 	snop  }
0x7: {  	_ = 	snop  }
__scs_overlays_trampoline_lowered:
0x8: {  	[smem:$0x3FAD] =	sst s0  }
0x9: {  	[smem:$0x3FAE] =	sst s1  }
0xa: {  	[smem:$0x3FAF] =	sst s2  }
0xb: {  	[smem:$0x3FB0] =	sst s3  }
0xc: {  	[smem:$0x3FB1] =	sst s4  }
0xd: {  	[smem:$0x3FB2] =	sst s5  }
0xe: {  	[smem:$0x3FB3] =	sst s6  }
0xf: {  	[smem:$0x3FB4] =	sst s7  }
0x10: {  	[smem:$0x3FB5] =	sst s8  }
0x11: {  	[smem:$0x3FB6] =	sst s9;
	s0 =	simm.s32 @!p0 $0x0  }
0x12: {  	s1 =	sld [smem:$0x3F9C];
	s0 =	simm.s32 @p0 $0x1  }
0x13: {  	[smem:$0x3FB7] =	sst s0;
	s0 =	simm.s32 @!p1 $0x0  }
0x14: {  	s2 =	sld [smem:$0x3F9B];
	s0 =	simm.s32 @p1 $0x1  }
0x15: {  	[smem:$0x3FB8] =	sst s0;
	s0 =	simm.s32 @!p2 $0x0  }
0x16: {  	s3 =	sld [smem:$0x3FDB];
	s0 =	simm.s32 @p2 $0x1  }
0x17: {  	s4 =	simm.s32 $0x1BF5;
	[smem:$0x3FBA] =	sst s0  }
0x18: {  	s0 =	sld [smem:$0x3F9D];
	_ =	swait.ge [sflag:s4], $0x0  }
0x19: {  	s7 =	sld [smem:$0x3F9E]  }
0x1a: {  	s8 =	sadd.s32 $0xFFFFE003, lr  }
0x1b: {  	s9 =	sadd.s32 $0xFFFFFEF7, lr;
	s5 =	simm.s32 $0xFFFFFFFF;
	p2 =	slt.u32 s8, $0xFFFFF086  }
0x1c: {  	p1 =	slt.u32 s9, $0xF7A;
	s5 =	simm.s32 @!p2 $0x0  }
0x1d: {  	s5 =	simm.s32 @p1 $0x1;
	p0 =	seq.s32 s7, s2  }
0x1e: {  	s7 =	smul.u32 @!p0 $0xF7A, s2;
	p2 =	seq.s32 @!p0 s5, $0x0  }
0x1f: {  	s9 =	smul.u32 $0xF7A, s1;
	s8 =	simm.s32 @!p0 $0x1BF5;
	p2 =	por !p2, p0  }
0x20: {  	[sflag:s8] =	ssyncset.s32 @!p0 $0xFFFFF086;
	s6 =	sadd.s32 @!p0 s3, s7;
	s7 =	simm.s32 @!p0 $0x108  }
0x21: {  	s3 =	sadd.s32 s3, s9;
	s6 =	sadd.s32 @!p0 $0x88, s6;
	s7 =	simm.s32 @p2 $0x1082  }
0x22: {  	[simem:s7], [sflag:s8] =	dma.local @!p0 [hbm:s6], $0xF7A  }
0x23: {  	s9 =	sor.u32 $0xD0000000, s2;
	s6 =	simm.s32 $0x108;
	_ =	swait.ge @!p0 [sflag:s8], $0x0  }
0x24: {  	s3 =	sadd.s32 $0x88, s3;
	s6 =	simm.s32 @!p1 $0x1082;
	[sflag:s4] =	ssyncset.s32 $0xFFFFF086  }
0x25: {  	[simem:s6], [sflag:s4] =	dma.local [hbm:s3], $0xF7A  }
0x26: {  	[smem:$0x3F9E] =	sst s1;
	(tag) =	ssettag s2;
	_ =	strace s9  }
0x27: {  	s1 =	sld [smem:$0x3FAE]  }
0x28: {  	s2 =	sld [smem:$0x3FAF]  }
0x29: {  	s4 =	sld [smem:$0x3FB1]  }
0x2a: {  	p0 =	seq.s32 s5, $0x0;
	s5 =	sld [smem:$0x3FB2]  }
0x2b: {  	s6 =	sld [smem:$0x3FB3]  }
0x2c: {  	s7 =	sld [smem:$0x3FB4]  }
0x2d: {  	s3 =	simm.s32 $0x108;
	s8 =	sld [smem:$0x3FB5]  }
0x2e: {  	s3 =	simm.s32 @!p0 $0x1082;
	s9 =	sld [smem:$0x3FB6]  }
0x2f: {  	lr =	sadd.s32 s0, s3;
	s0 =	sld [smem:$0x3FAD]  }
0x30: {  	s3 =	sld [smem:$0x3FB0]  }
0x31: {  	[smem:$0x3FB9] =	sst s10  }
0x32: {  	s10 =	sld [smem:$0x3FB7];
	_ =	sdelay $0x3  }
0x33: {  	p0 =	seq.s32 s10, $0x1;
	s10 =	sld [smem:$0x3FB9];
	_ =	sdelay $0x3  }
0x34: {  	[smem:$0x3FB9] =	sst s10  }
0x35: {  	s10 =	sld [smem:$0x3FB8];
	_ =	sdelay $0x3  }
0x36: {  	p1 =	seq.s32 s10, $0x1;
	s10 =	sld [smem:$0x3FB9];
	_ =	sdelay $0x3  }
0x37: {  	[smem:$0x3FB9] =	sst s10  }
0x38: {  	s10 =	sld [smem:$0x3FBA]  }
0x39: {  	_ = 	snop;
	(pc) =	sbr.ind lr, $3  }
0x3a: {  	_ = 	snop  }
0x3b: {  	_ = 	snop  }
0x3c: {  	p2 =	seq.s32 s10, $0x1;
	s10 =	sld [smem:$0x3FB9]  }
0x3d: {  	_ =	shalt  }
0x3e: {  	_ =	shalt  }
0x3f: {  	_ =	shalt  }
0x40: {  	_ =	shalt  }
0x41: {  	_ =	shalt  }
0x42: {  	_ =	shalt  }
0x43: {  	_ =	shalt  }
0x44: {  	_ =	shalt  }
0x45: {  	_ =	shalt  }
0x46: {  	_ =	shalt  }
0x47: {  	_ =	shalt  }
0x48: {  	_ =	shalt  }
0x49: {  	_ =	shalt  }
0x4a: {  	_ =	shalt  }
0x4b: {  	_ =	shalt  }
0x4c: {  	_ =	shalt  }
0x4d: {  	_ =	shalt  }
0x4e: {  	_ =	shalt  }
0x4f: {  	_ =	shalt  }
0x50: {  	_ =	shalt  }
0x51: {  	_ =	shalt  }
0x52: {  	_ =	shalt  }
0x53: {  	_ =	shalt  }
0x54: {  	_ =	shalt  }
0x55: {  	_ =	shalt  }
0x56: {  	_ =	shalt  }
0x57: {  	_ =	shalt  }
0x58: {  	_ =	shalt  }
0x59: {  	_ =	shalt  }
0x5a: {  	_ =	shalt  }
0x5b: {  	_ =	shalt  }
0x5c: {  	_ =	shalt  }
0x5d: {  	_ =	shalt  }
0x5e: {  	_ =	shalt  }
0x5f: {  	_ =	shalt  }
0x60: {  	_ =	shalt  }
0x61: {  	_ =	shalt  }
0x62: {  	_ =	shalt  }
0x63: {  	_ =	shalt  }
0x64: {  	_ =	shalt  }
0x65: {  	_ =	shalt  }
0x66: {  	_ =	shalt  }
0x67: {  	_ =	shalt  }
0x68: {  	_ =	shalt  }
0x69: {  	_ =	shalt  }
0x6a: {  	_ =	shalt  }
0x6b: {  	_ =	shalt  }
0x6c: {  	_ =	shalt  }
0x6d: {  	_ =	shalt  }
0x6e: {  	_ =	shalt  }
0x6f: {  	_ =	shalt  }
0x70: {  	_ =	shalt  }
0x71: {  	_ =	shalt  }
0x72: {  	_ =	shalt  }
0x73: {  	_ =	shalt  }
0x74: {  	_ =	shalt  }
0x75: {  	_ =	shalt  }
0x76: {  	_ =	shalt  }
0x77: {  	_ =	shalt  }
0x78: {  	_ =	shalt  }
0x79: {  	_ =	shalt  }
0x7a: {  	_ =	shalt  }
0x7b: {  	_ =	shalt  }
0x7c: {  	_ =	shalt  }
0x7d: {  	_ =	shalt  }
0x7e: {  	_ =	shalt  }
0x7f: {  	_ =	shalt  }
0x80: {  	_ =	shalt  }
0x81: {  	_ =	shalt  }
0x82: {  	_ =	shalt  }
0x83: {  	_ =	shalt  }
0x84: {  	_ =	shalt  }
0x85: {  	_ =	shalt  }
0x86: {  	_ =	shalt  }
0x87: {  	_ =	shalt  }
.Lfunc_end0:
.L_simem_size_0:
called_computation.1_lowered:
.L_overlay_start_0:
0x88: {  	s2 =	sld [smem:$0x3FD9]  }
0x89: {  	s3 =	sld [smem:$0x3FFE];
	_ =	sdelay $0x1  }
0x8a: {  	s1 =	srdreg.scid  }
0x8b: {  	s0 =	sand.u32 $0x1, s1  }
0x8c: {  	s16 =	sshll.u32 s0, $0xA;
	s2 =	sadd.s32 s3, s2  }
0x8d: {  	s2 =	sadd.s32 s2, s16  }
0x8e: {  	[smem:$0x3FC5] =	sst s2  }
0x8f: {  	_ = 	snop  }
0x90: {  	(tm) =	ssettm $0x1  }
0x91: {  	s17 =	sld [smem:$0x3FFB];
	_ =	sdelay $0x3  }
0x92: {  	_ =	strace s17  }
0x93: {  	s2 =	sld [smem:$0x3FFC];
	_ =	sdelay $0x3  }
0x94: {  	_ =	strace s2  }
0x95: {  	s2 =	sld [smem:$0x3FFD];
	_ =	sdelay $0x3  }
0x96: {  	_ =	strace s2  }
0x97: {  	_ =	strace $0x8FFFFFFF  }
0x98: {  	s18 =	sld [smem:$0x3FDB];
	_ =	sdelay $0x1  }
0x99: {  	s19 =	simm.s32 $_scs_section_size  }
0x9a: {  	s4 =	simm.s32 $_size__tile_overlayer_lowered;
	s5 =	simm.s32 $_tile_overlayer_lowered  }
0x9b: {  	s22 =	simm.s32 $0x1BFF;
	s21 =	sshll.u32 s5, $0x1;
	s2 =	sadd.s32 s19, s18  }
0x9c: {  	s6 =	simm.s32 $0x0;
	s20 =	sshll.u32 s4, $0x1;
	s4 =	sadd.s32 s21, s2  }
0x9d: {  	[timem:s6], [sflag:s22] =	dma.local [hbm:s4], s20  }
0x9e: {  	_ =	swait.ge [sflag:s22], s20  }
0x9f: {  	s3 =	ssub.s32 $0x0, s20;
	[sflag:s22] =	ssyncset.done $0x0  }
0xa0: {  	[sflag:s22] =	ssyncadd.s32 s3;
	_ =	sdelay $0x1  }
0xa1: {  	s23 =	simm.s32 $0x1B8B  }
0xa2: {  	_ =	swait.ge [sflag:s23], $0x1  }
0xa3: {  	[sflag:s23] =	ssyncset.done $0x0  }
0xa4: {  	s25 =	simm.s32 $0x1B8E;
	s24 =	sld [smem:$0x3FFE];
	[sflag:s23] =	ssyncadd.s32 $0xFFFFFFFF  }
0xa5: {  	s26 =	simm.s32 $execute0_lowered;
	[smem:$0x3FD2] =	sst s25  }
0xa6: {  	s4 =	sshll.u32 s26, $0x1;
	_ =	strace $0x80000049;
	[dreg:$0x1] =	wrdreg $0xFFFFFFFF  }
0xa7: {  	s28 =	simm.s32 $_size_execute0_lowered;
	s2 =	sadd.s32 s2, s4;
	[dreg:$0x0] =	wrdreg $0x0  }
0xa8: {  	s4 =	sshll.u32 s28, $0x1;
	[dreg:$0x2] =	wrdreg s2  }
0xa9: {  	[dreg:$0x3] =	wrdreg s4  }
0xaa: {  	[dreg:$0x4] =	wrdreg $0xC0  }
0xab: {  	_ =	task [dreg:s6], $0x5FFFF  }
0xac: {  	[dreg:$0x1] =	wrdreg $0xFFFFFFFF  }
0xad: {  	[dreg:$0x0] =	wrdreg $0x60  }
0xae: {  	[dreg:$0x2] =	wrdreg s24  }
0xaf: {  	[dreg:$0x3] =	wrdreg $0x9  }
0xb0: {  	_ =	task.clear_ibuf [dreg:s6], $0x4FFFF;
	_ =	strace $0x90000049  }
0xb1: {  	s29 =	simm.s32 $0x9;
	_ =	strace $0x8000004B  }
0xb2: {  	_ =	swait.ge [sflag:s29], $0x1  }
0xb3: {  	[sflag:s29] =	ssyncadd.s32 $0xFFFFFFFF  }
0xb4: {  	_ =	strace $0x9000004B  }
0xb5: {  	_ =	sfence  }
0xb6: {  	s30 =	sld [smem:$0x0];
	_ =	sdelay $0x2  }
0xb7: {  	s31 =	sshll.u32 s1, $0xD;
	s1 =	sshrl.u32 s1, $0x2  }
0xb8: {  	s3 =	sand.u32 $0x4000, s31;
	s1 =	sadd.s32 s1, s30  }
0xb9: {  	s0 =	sor.u32 s3, s0;
	s1 =	sshll.u32 s1, $0x11  }
0xba: {  	s0 =	sor.u32 s1, s0  }
0xbb: {  	s0 =	sadd.s32 $0x8F2B, s0  }
0xbc: {  	[sflag:s0] =	ssyncadd.remote.s32 $0x1  }
0xbd: {  	_ =	sfence.sel $0xFFFF  }
0xbe: {  	[dreg:$0x0] =	wrdreg $0xFFFFFFFF;
	(pc) =	sbr.abs _section_cstart, $3  }
0xbf: {  	[dreg:$0x1] =	wrdreg $0xFFFFFFFF  }
0xc0: {  	_ =	task.clear_ibuf [dreg:s6], $0x2FFFF;
	_ =	strace $0x9FFFFFFF  }
0xc1: {  	(tm) =	ssettm $0x7FFFFFFF  }
tec
execute0_lowered:
.L_overlay_start_1:
0x0: {  	(tag) =	ssettag $0x1  }
0x1: {  	s7 =	rddreg [dreg:$0x0];
	s1 =	simm.s32 $0x0  }
0x2: {  	[smem:$0x7FF] =	sst s1  }
0x3: {  	s0 =	rddreg [dreg:$0x1];
	v0 =	vimm.f32 $1.000000010e-01;
	_ =	strace $0x8000004A  }
0x4: {  	(erf) = vrcp.f32 v0;
	_ =	sdelay $0x3  }
0x5: {  	s2 =	srdreg.scid;
	s3 =	stileid.u32;
	s10 =	simm.s32 $0x1  }
.Ltmp0:
0x6: {  	s11 =	simm.s32 $0x5A00;
	s2 =	sand.u32 $0x1, s2;
	(pc) =	sbr.rel .LBB2_1-.Ltmp0, $4  }
0x7: {  	s12 =	simm.s32 $0x1EB00;
	s13 =	simm.s32 $0x5B00;
	s8 =	ssub.s32 $0x2, s2  }
0x8: {  	s14 =	simm.s32 $0x0;
	s4 =	sadd.s32 $0x1200, s7;
	s9 =	sshrl.u32 s8, $0x1  }
0x9: {  	s5 =	sadd.s32 $0x32000, s7;
	s6 =	sadd.s32 $0x32C00, s7;
	s9 =	ssub.s32 s8, s9  }
0xa: {  	v1 =	vimm.f32 $0.0e+00;
	s7 =	sadd.s32 $0x32E00, s7;
	s8 =	sshll.u32 s3, $0x1;
	s9 =	smax.u32 s9, $0x1;
	v0 =	vpop (erf)  }
.LBB2_14:
0xb: {  	s14 =	sadd.s32 $0x1, s14  }
0xc: {  	p0 =	sne.s32 s14, s9  }
.Ltmp1:
0xd: {  	_ = 	snop;
	(pc) =	sbr.rel @!p0 .LBB2_15-.Ltmp1, $1  }
0xe: {  	_ =	sdelay $0x3  }
.LBB2_1:
0xf: {  	[tilespmem:s1], [sflag:$0x1] =	stream.linear.gather [hbm4b:s5+s1], $0x5A00, $0x38;
	[tilespmem:$0x1EC00] =	vst v63  }
0x10: {  	_ =	swait.ge [sflag:s10], $0x5A00  }
0x11: {  	[sflag:s10] =	ssyncset.done $0x0  }
0x12: {  	[sflag:s10] =	ssyncadd.s32 $0xFFFFA600  }
0x13: {  	[tilespmem:s11], [sflag:$0x1] =	stream.linear.gather [hbm4b:s6+s1], $0x100, $0x38;
	[tilespmem:$0x1EC00] =	vst v63  }
0x14: {  	_ =	swait.ge [sflag:s10], $0x100  }
0x15: {  	[sflag:s10] =	ssyncset.done $0x0  }
0x16: {  	[sflag:s10] =	ssyncadd.s32 $0xFFFFFF00  }
0x17: {  	v2 =	vld [tilespmem:$0x5A00]  }
0x18: {  	v3 =	vld [tilespmem:$0x5A10]  }
0x19: {  	v4 =	vld [tilespmem:$0x5A20]  }
0x1a: {  	v5 =	vld [tilespmem:$0x5A30]  }
0x1b: {  	v6 =	vld [tilespmem:$0x5A40]  }
0x1c: {  	v7 =	vld [tilespmem:$0x5A50]  }
0x1d: {  	v8 =	vld [tilespmem:$0x5A60]  }
0x1e: {  	v9 =	vld [tilespmem:$0x5A70]  }
0x1f: {  	v10 =	vld [tilespmem:$0x5A80]  }
.Ltmp2:
0x20: {  	v11 =	vld [tilespmem:$0x5A90];
	(pc) =	sbr.rel .LBB2_2-.Ltmp2, $4  }
0x21: {  	v12 =	vld [tilespmem:$0x5AA0]  }
0x22: {  	v13 =	vld [tilespmem:$0x5AB0]  }
0x23: {  	v14 =	vld [tilespmem:$0x5AC0]  }
0x24: {  	s15 =	simm.s32 $0x0;
	v15 =	vld [tilespmem:$0x5AD0]  }
.LBB2_13:
0x25: {  	s16 =	smul.u32 $0x3200, s16;
	s15 =	sadd.s32 $0x1, s15  }
0x26: {  	p0 =	sne.s32 s15, $0x16  }
.Ltmp3:
0x27: {  	s16 =	sadd.s32 s7, s16;
	(pc) =	sbr.rel @!p0 .LBB2_14-.Ltmp3, $4  }
0x28: {  	[hbm4b:s16+s1] =	stream.linear.scatter [tilespmem:s13], [sflag:$0x1], $0x19000, $0x38;
	[tilespmem:$0x1EC00] =	vst v63  }
0x29: {  	_ =	swait.ge [sflag:s10], $0x19000  }
0x2a: {  	[sflag:s10] =	ssyncset.done $0x0  }
0x2b: {  	[sflag:s10] =	ssyncadd.s32 $0xFFFE7000  }
.LBB2_2:
0x2c: {  	s16 =	simm.s32 $0x200;
	s17 =	simm.s32 $0x0  }
.LBB2_3:
0x2d: {  	p0 =	sne.s32 s16, $0x63E00;
	[tilespmem:s17+$0x5B00] =	vst v1;
	s18 =	smov.u32 s16;
	s16 =	sadd.s32 $0x200, s16  }
.Ltmp4:
0x2e: {  	[tilespmem:s17+$0x5B10] =	vst v1;
	(pc) =	sbr.rel @p0 .LBB2_3-.Ltmp4, $2  }
0x2f: {  	_ =	sdelay $0x2  }
0x30: {  	s17 =	sshra.s32 s18, $0x2  }
0x31: {  	s16 =	sshll.u32 s15, $0x5  }
0x32: {  	s16 =	sor.u32 s16, s8  }
0x33: {  	s16 =	sor.u32 s2, s16  }
0x34: {  	v16 =	vmov s16  }
0x35: {  	v17 =	vcvt.s32.f32 v16;
	_ =	sdelay $0x1  }
.Ltmp5:
0x36: {  	v17 =	vbroadcast v17, $0x0;
	(pc) =	sbr.rel .LBB2_5-.Ltmp5, $4  }
0x37: {  	_ = 	snop  }
0x38: {  	v18 =	vmul.f32 v17, v12;
	v19 =	vmul.f32 v17, v13  }
0x39: {  	[tilespmem:s17+$0x5B00] =	vst v1  }
0x3a: {  	[tilespmem:s17+$0x5B10] =	vst v1;
	s17 =	simm.s32 $0x0;
	s18 =	simm.s32 $0x0;
	v17 =	vadd.f32 v18, v14;
	v18 =	vadd.f32 v19, v15  }
.LBB2_12:
0x3b: {  	s18 =	sadd.s32 $0x1, s18  }
0x3c: {  	p0 =	sne.s32 s18, $0x20  }
.Ltmp6:
0x3d: {  	_ = 	snop;
	(pc) =	sbr.rel @!p0 .LBB2_13-.Ltmp6, $2  }
0x3e: {  	_ =	sdelay $0x2  }
0x3f: {  	s17 =	sadd.s32 $0x30D4, s17  }
.LBB2_5:
0x40: {  	_ = 	snop  }
0x41: {  	s19 =	smul.u32 $0xB40, s18;
	_ =	sdelay $0x1  }
0x42: {  	s19 =	sshra.s32 s19, $0x2  }
0x43: {  	v19 =	vld.idx.msk [tilespmem:v16+s19+$0x0 ss:$0x1], $0xffff;
	_ =	sdelay $0x4  }
0x44: {  	(v2sf) =	vpush v19, $0x0  }
0x45: {  	(v2sf) =	vpush v19, $0x1;
	_ =	sdelay $0xd  }
0x46: {  	s19 =	spop (v2sf)  }
0x47: {  	s20 =	spop (v2sf)  }
0x48: {  	s20 =	ssub.s32 s20, s19  }
0x49: {  	p0 =	slt.s32 s20, $0x1  }
.Ltmp7:
0x4a: {  	_ = 	snop;
	(pc) =	sbr.rel @p0 .LBB2_12-.Ltmp7, $1  }
0x4b: {  	_ =	sdelay $0x3  }
.Ltmp8:
0x4c: {  	(pc) =	sbr.rel .LBB2_7-.Ltmp8, $3  }
0x4d: {  	_ = 	snop  }
0x4e: {  	s21 =	smul.u32 $0x30D4, s18;
	_ =	sdelay $0x1  }
0x4f: {  	s22 =	sadd.s32 s17, s19;
	s23 =	simm.s32 $0x0;
	s21 =	sadd.s32 s21, s19  }
.LBB2_10:
0x50: {  	[tilespmem:s29+$0x5B00] =	vst v21;
	v19 =	vmax.f32 v19, v20  }
0x51: {  	[tilespmem:s29+$0x5B10] =	vst v19  }
.LBB2_11:
0x52: {  	s24 =	sand.u32 $0x1, s24  }
0x53: {  	s24 =	ssub.s32 $0x20, s24  }
0x54: {  	p0 =	slt.s32 s24, s25  }
0x55: {  	s25 =	smov.u32 @p0 s24  }
0x56: {  	s23 =	sadd.s32 s23, s25  }
0x57: {  	p0 =	slt.s32 s23, s20  }
.Ltmp9:
0x58: {  	_ = 	snop;
	(pc) =	sbr.rel @!p0 .LBB2_12-.Ltmp9, $1  }
0x59: {  	_ =	sdelay $0x3  }
.LBB2_7:
0x5a: {  	s24 =	sadd.s32 s23, s21  }
0x5b: {  	s25 =	sshrl.u32 s24, $0x1  }
0x5c: {  	s25 =	sand.u32 $0x1FFFFFFF, s25  }
0x5d: {  	s25 =	sadd.s32 s4, s25  }
0x5e: {  	[tilespmem:s12], [sflag:$0x1] =	stream.linear.gather [hbm4b:s25+s1], $0x80, $0x38;
	[tilespmem:$0x1EC00] =	vst v63  }
0x5f: {  	s25 =	ssub.s32 s20, s23  }
0x60: {  	p0 =	slt.s32 s25, $0x1  }
.Ltmp10:
0x61: {  	_ = 	snop;
	(pc) =	sbr.rel @p0 .LBB2_11-.Ltmp10, $4  }
0x62: {  	_ = 	snop  }
0x63: {  	_ =	swait.ge [sflag:s10], $0x80  }
0x64: {  	[sflag:s10] =	ssyncset.done $0x0  }
0x65: {  	[sflag:s10] =	ssyncadd.s32 $0xFFFFFF80  }
0x66: {  	s26 =	sadd.s32 s23, s22  }
0x67: {  	s26 =	sand.u32 $0x1, s26  }
0x68: {  	s26 =	sshll.u32 s26, $0x2  }
0x69: {  	s26 =	sor.u32 $0x1EB00, s26  }
0x6a: {  	v19 =	vld [tilespmem:s26+$0x0];
	_ =	sdelay $0x4  }
0x6b: {  	v20 =	vadd.f32 $4.000000000e+01, v19;
	_ =	sdelay $0x1  }
0x6c: {  	v20 =	vmul.f32 v20, v0;
	_ =	sdelay $0x1  }
0x6d: {  	v20 =	vtrunc.f32 v20  }
0x6e: {  	v20 =	vcvt.f32.s32 v20;
	_ =	sdelay $0x1  }
0x6f: {  	vm0 =	vgt.s32 v20, $0x0  }
0x70: {  	v20 =	vnsel vm0, $0x0, v20  }
0x71: {  	v20 =	vmin.u32 v20, $0x31F  }
0x72: {  	(v2sf) =	vpush v20, $0x1;
	_ =	sdelay $0x4  }
0x73: {  	v21 =	vbroadcast v19, $0x0;
	_ =	sdelay $0x1  }
0x74: {  	v22 =	vbroadcast v19, $0x1;
	v23 =	vmul.f32 v21, v2  }
0x75: {  	v21 =	vmul.f32 v21, v3  }
0x76: {  	v24 =	vbroadcast v19, $0x2;
	v25 =	vmul.f32 v22, v4;
	v23 =	vadd.f32 v23, v17  }
0x77: {  	v22 =	vmul.f32 v22, v5;
	v21 =	vadd.f32 v21, v18  }
0x78: {  	s28 =	sadd.s32 s23, s19;
	v19 =	vbroadcast v19, $0x3;
	v61 =	vmul.f32 v24, v6;
	v23 =	vadd.f32 v23, v25  }
0x79: {  	s28 =	sand.u32 $0x1, s28;
	v21 =	vadd.f32 v21, v22;
	v22 =	vmul.f32 v24, v7;
	v20 =	vcvt.s32.f32 v20  }
0x7a: {  	s28 =	ssub.s32 $0x20, s28;
	v62 =	vmul.f32 v19, v8;
	v23 =	vadd.f32 v23, v61  }
0x7b: {  	s28 =	smin.u32 s25, s28;
	v19 =	vmul.f32 v19, v9;
	v21 =	vadd.f32 v21, v22;
	v20 =	vbroadcast v20, $0x1  }
0x7c: {  	s28 =	ssub.s32 $0x0, s28;
	v22 =	vadd.f32 v23, v62;
	s29 =	spop (v2sf)  }
0x7d: {  	s28 =	sadd.s32 $0x1, s28;
	v19 =	vadd.f32 v21, v19;
	v23 =	vmul.f32 v20, v10;
	v20 =	vmul.f32 v20, v11;
	s29 =	sshll.u32 s29, $0x7  }
0x7e: {  	p0 =	seq.s32 s28, $0x0;
	v63 =	vld [tilespmem:s29+$0x5B00]  }
.Ltmp11:
0x7f: {  	v20 =	vadd.f32 v20, v19;
	v19 =	vld [tilespmem:s29+$0x5B10];
	(pc) =	sbr.rel @p0 .LBB2_10-.Ltmp11, $3  }
0x80: {  	v21 =	vadd.f32 v23, v22;
	_ =	sdelay $0x1  }
0x81: {  	v21 =	vmax.f32 v21, $0.0e+00  }
0x82: {  	v20 =	vmax.f32 v20, $0.0e+00;
	v21 =	vmax.f32 v63, v21  }
.LBB2_9:
0x83: {  	s28 =	sadd.s32 $0x1, s28;
	[tilespmem:s29+$0x5B00] =	vst v21;
	v19 =	vmax.f32 v19, v20;
	s26 =	sadd.s32 $0x4, s26  }
0x84: {  	p0 =	seq.s32 s28, $0x0;
	[tilespmem:s29+$0x5B10] =	vst v19  }
0x85: {  	v19 =	vld [tilespmem:s26+$0x0];
	_ =	sdelay $0x4  }
0x86: {  	v20 =	vadd.f32 $4.000000000e+01, v19;
	v21 =	vbroadcast v19, $0x0;
	v22 =	vbroadcast v19, $0x2  }
0x87: {  	v23 =	vbroadcast v19, $0x1;
	v19 =	vbroadcast v19, $0x3  }
0x88: {  	v20 =	vmul.f32 v20, v0;
	v24 =	vmul.f32 v21, v3  }
0x89: {  	v21 =	vmul.f32 v21, v2;
	v25 =	vmul.f32 v23, v4  }
0x8a: {  	v23 =	vmul.f32 v23, v5;
	v20 =	vtrunc.f32 v20;
	v24 =	vadd.f32 v24, v18  }
0x8b: {  	v21 =	vadd.f32 v21, v17;
	v20 =	vcvt.f32.s32 v20  }
0x8c: {  	v23 =	vadd.f32 v24, v23;
	v24 =	vmul.f32 v22, v7  }
0x8d: {  	v21 =	vadd.f32 v21, v25;
	v22 =	vmul.f32 v22, v6;
	vm0 =	vgt.s32 v20, $0x0  }
0x8e: {  	v20 =	vnsel vm0, $0x0, v20;
	v23 =	vadd.f32 v23, v24  }
0x8f: {  	v21 =	vadd.f32 v21, v22;
	v20 =	vmin.u32 v20, $0x31F  }
0x90: {  	v22 =	vcvt.s32.f32 v20;
	(v2sf) =	vpush v20, $0x1  }
0x91: {  	v20 =	vmul.f32 v19, v8  }
0x92: {  	v19 =	vmul.f32 v19, v9;
	v22 =	vbroadcast v22, $0x1  }
0x93: {  	v20 =	vadd.f32 v21, v20  }
0x94: {  	v19 =	vadd.f32 v23, v19;
	v21 =	vmul.f32 v22, v10;
	v22 =	vmul.f32 v22, v11;
	_ =	sdelay $0x1  }
0x95: {  	v20 =	vadd.f32 v21, v20;
	v21 =	vadd.f32 v22, v19;
	_ =	sdelay $0x8  }
0x96: {  	s29 =	spop (v2sf)  }
0x97: {  	s29 =	sshll.u32 s29, $0x7  }
0x98: {  	v22 =	vld [tilespmem:s29+$0x5B00]  }
.Ltmp12:
0x99: {  	v19 =	vld [tilespmem:s29+$0x5B10];
	(pc) =	sbr.rel @!p0 .LBB2_9-.Ltmp12, $3  }
0x9a: {  	_ =	sdelay $0x1  }
0x9b: {  	v23 =	vmax.f32 v20, $0.0e+00  }
0x9c: {  	v20 =	vmax.f32 v21, $0.0e+00;
	v21 =	vmax.f32 v22, v23  }
.Ltmp13:
0x9d: {  	_ = 	snop;
	(pc) =	sbr.rel .LBB2_10-.Ltmp13, $1  }
0x9e: {  	_ =	sdelay $0x3  }
.LBB2_15:
0x9f: {  	_ =	sfence.sel $0x180000  }
0xa0: {  	[bflag:$0x0] =	sbarrier.arrive $0xFFFF  }
0xa1: {  	p0 =	sne.s32 s3, $0x0;
	_ =	strace $0x9000004A  }
0xa2: {  	s0 =	sadd.s32 @!p0 $0x100000, s0;
	[bflag:$0x2] =	sbarrier.arrive $0xFFFF  }
0xa3: {  	[sflag:s0] =	ssyncadd.tile.s32 @!p0 $0x1;
	_ =	shalt  }
.Lfunc_end2:
_tile_overlayer_lowered:
.L_overlay_start_2:
0xa4: {  	(tag) =	ssettag $0x2  }
0xa5: {  	s0 =	rddreg [dreg:$0x0];
	s2 =	stileid.u32  }
0xa6: {  	s1 =	rddreg [dreg:$0x1];
	p0 =	sne.s32 s2, $0x0  }
0xa7: {  	s3 =	rddreg [dreg:$0x2];
	[bflag:$0x3] =	sbarrier.arrive $0xFFFF;
	s2 =	simm.s32 @!p0 $0x1C01  }
0xa8: {  	[timem:s3], [sflag:s2] =	dma.local @!p0 [hbm:s0], s1  }
0xa9: {  	s0 =	simm.s32 @!p0 $0x1  }
0xaa: {  	_ =	swait.ge @!p0 [sflag:s0], s1  }
0xab: {  	s1 =	ssub.s32 @!p0 $0x0, s1;
	[sflag:s0] =	ssyncset.done @!p0 $0x0  }
0xac: {  	[sflag:s0] =	ssyncadd.s32 @!p0 s1  }
0xad: {  	[bflag:$0x3] =	sbarrier.arrive $0xFFFF  }
0xae: {  	_ =	shalt  }

</sc_bundles>
